<compile_context>
chip_gen: v7x
topology: tpu7x:2x2x1
jax: 0.10.2.dev20260603
libtpu: 0.0.44.dev20260713+nightly
codegen_flags: <defaults>
</compile_context>

<pallas_src>
import functools

import jax
import jax.numpy as jnp
from jax import lax
from jax.experimental import pallas as pl
from jax.experimental.pallas import tpu as pltpu
from jax.experimental.pallas import tpu_sc as plsc

D_MODEL = 64
NC, NS = 2, 16
NW = NC * NS
LANES = 128
NBUF = 4


@functools.lru_cache(maxsize=None)
def _build(t_dim: int, d: int):
    mesh = plsc.VectorSubcoreMesh(core_axis_name="c", subcore_axis_name="s")
    n_outer = t_dim // NBUF
    dk = d // 8
    hw = d // 2

    @functools.partial(
        pl.kernel,
        out_type=jax.ShapeDtypeStruct((t_dim, dk, NW, 8, LANES), jnp.float32),
        mesh=mesh,
        scratch_types=[
            pltpu.VMEM((t_dim, LANES), jnp.int32),
            [pltpu.VMEM((LANES, d), jnp.float32)] * NBUF,
            [pltpu.VMEM((dk, 8, LANES + 1), jnp.float32)] * NBUF,
            pltpu.SemaphoreType.DMA,
            [pltpu.SemaphoreType.DMA] * NBUF,
            [pltpu.SemaphoreType.DMA] * NBUF,
        ],
        compiler_params=pltpu.CompilerParams(
            use_tc_tiling_on_sc=False, needs_layout_passes=False),
    )
    def emb_kernel(xt_hbm, tbl_hbm, out_hbm, idx_v, gbufs, obufs,
                   isem, gsems, osems):
        wid = lax.axis_index("s") * NC + lax.axis_index("c")
        pltpu.async_copy(
            xt_hbm.at[:, pl.ds(wid * LANES, LANES)], idx_v, isem).wait()

        def fire_gathers(t, b):
            pltpu.async_copy(tbl_hbm.at[idx_v.at[t]], gbufs[b], gsems[b])

        def wait_gathers(t, b):
            pltpu.make_async_copy(
                tbl_hbm.at[idx_v.at[t]], gbufs[b], gsems[b]).wait()

        for b in range(NBUF):
            fire_gathers(b, b)

        iota16 = lax.iota(jnp.int32, 16)
        zero16 = jnp.zeros((16,), jnp.int32)
        kvecs = [(iota16 + c0) // 8 for c0 in range(0, d, 16)]
        svecs = [(iota16 + c0) % 8 for c0 in range(0, d, 16)]
        scale = float(d) ** 0.5
        UNR = 8

        def outer(go, carry):
            for b in range(NBUF):
                t = go * NBUF + b
                gbuf, obuf = gbufs[b], obufs[b]
                wait_gathers(t, b)

                @pl.when(go > 0)
                def _():
                    pltpu.make_async_copy(
                        obuf.at[:, :, pl.ds(0, LANES)],
                        out_hbm.at[t, :, wid], osems[b]).wait()

                @plsc.parallel_loop(0, LANES, 1, unroll=4)
                def rbody(r):
                    colv = zero16 + r
                    for ci in range(d // 16):
                        vec = gbuf[r, pl.ds(16 * ci, 16)] * scale
                        plsc.store_scatter(
                            obuf, [kvecs[ci], svecs[ci], colv], vec)

                @pl.when(go < n_outer - 1)
                def _():
                    fire_gathers(t + NBUF, b)

                pltpu.async_copy(
                    obuf.at[:, :, pl.ds(0, LANES)],
                    out_hbm.at[t, :, wid], osems[b])
            return carry

        lax.fori_loop(0, n_outer, outer, 0)

        for b in range(NBUF):
            t = t_dim - NBUF + b
            pltpu.make_async_copy(
                obufs[b].at[:, :, pl.ds(0, LANES)],
                out_hbm.at[t, :, wid], osems[b]).wait()

    return emb_kernel


@jax.jit
def kernel(x, table):
    bsz, t_dim = x.shape
    v, d = table.shape
    assert bsz == NW * LANES and d % 16 == 0 and t_dim % NBUF == 0
    xt = x.T.astype(jnp.int32)
    out5 = _build(t_dim, d)(xt, table)
    return out5.transpose(2, 4, 0, 1, 3).reshape(bsz, t_dim, d)

# --- scband reference (transcript-rebuilt; emitter-appended) ---
"""Pipeline reference for scband-input-embeddings-14783277433129 (READ-ONLY COPY).

The authoritative reference and input builder live on the scoring server;
editing this copy changes nothing except your own understanding.
"""

import jax, jax.numpy as jnp
import numpy as np

VOCAB = 1000000
D_MODEL = 64

def setup_inputs(seed: int = 0) -> dict:
    key = jax.random.key(seed)
    k1, k2 = jax.random.split(key)
    x = jax.random.randint(k1, (4096, 200), 0, VOCAB, dtype=jnp.int64 if jax.config.jax_enable_x64 else jnp.int32)
    table = jax.random.normal(k2, (VOCAB, D_MODEL), dtype=jnp.float32)
    return {"x": x, "table": table}

def reference(x, table):
    emb = jnp.take(table, x, axis=0)
    scale = jnp.sqrt(jnp.asarray(D_MODEL, dtype=jnp.float32))
    return emb * scale

if __name__ == "__main__":
    import jax
    _d = setup_inputs()
    print(jax.jit(kernel)(*tuple(_d.values())))

</pallas_src>

<mosaic_0001>
#map = affine_map<(d0, d1) -> (0, 0)>
#map1 = affine_map<(d0, d1) -> (0, 0, 0, 0, 0)>
module attributes {stable_mosaic.version = 14 : i64} {
  func.func @emb_kernel(%arg0: i32, %arg1: i32, %arg2: memref<200x4096xi32, #tpu.memory_space<hbm>>, %arg3: memref<1000000x64xf32, #tpu.memory_space<hbm>>, %arg4: memref<200x8x32x8x128xf32, #tpu.memory_space<hbm>>, %arg5: memref<200x128xi32, #tpu.memory_space<vmem>>, %arg6: memref<128x64xf32, #tpu.memory_space<vmem>>, %arg7: memref<128x64xf32, #tpu.memory_space<vmem>>, %arg8: memref<128x64xf32, #tpu.memory_space<vmem>>, %arg9: memref<128x64xf32, #tpu.memory_space<vmem>>, %arg10: memref<8x8x129xf32, #tpu.memory_space<vmem>>, %arg11: memref<8x8x129xf32, #tpu.memory_space<vmem>>, %arg12: memref<8x8x129xf32, #tpu.memory_space<vmem>>, %arg13: memref<8x8x129xf32, #tpu.memory_space<vmem>>, %arg14: memref<!tpu.dma_semaphore, #tpu.memory_space<semaphore_mem>>, %arg15: memref<!tpu.dma_semaphore, #tpu.memory_space<semaphore_mem>>, %arg16: memref<!tpu.dma_semaphore, #tpu.memory_space<semaphore_mem>>, %arg17: memref<!tpu.dma_semaphore, #tpu.memory_space<semaphore_mem>>, %arg18: memref<!tpu.dma_semaphore, #tpu.memory_space<semaphore_mem>>, %arg19: memref<!tpu.dma_semaphore, #tpu.memory_space<semaphore_mem>>, %arg20: memref<!tpu.dma_semaphore, #tpu.memory_space<semaphore_mem>>, %arg21: memref<!tpu.dma_semaphore, #tpu.memory_space<semaphore_mem>>, %arg22: memref<!tpu.dma_semaphore, #tpu.memory_space<semaphore_mem>>) attributes {dimension_semantics = [#tpu.dimension_semantics<core_parallel>, #tpu.dimension_semantics<subcore_parallel>], iteration_bounds = array<i64: 2, 16>, scalar_prefetch = 0 : i64, scratch_operands = 18 : i64, tpu.core_type = #tpu.core_type<sc_vector_subcore>, window_params = [{transform_indices = #map}, {transform_indices = #map}, {transform_indices = #map1}]} {
    %mul3A = arith.constant 2 : i32
    %mul3A_0 = arith.muli %arg1, %mul3A : i32
    %add3A = arith.addi %mul3A_0, %arg0 : i32
    %mul3A_1 = arith.constant 128 : i32
    %mul3A_2 = arith.muli %add3A, %mul3A_1 : i32
    %dma_start3A = arith.constant 0 : i32
    %dma_start3A_3 = tpu.memref_slice %arg2[%dma_start3A, %mul3A_2] : memref<200x4096xi32, #tpu.memory_space<hbm>> -> memref<200x128xi32, #tpu.memory_space<hbm>>
    %dma_start3A_4 = arith.constant 0 : i32
    %dma_start3A_5 = tpu.memref_slice %arg2[%dma_start3A_4, %mul3A_2] : memref<200x4096xi32, #tpu.memory_space<hbm>> -> memref<200x128xi32, #tpu.memory_space<hbm>>
    tpu.enqueue_dma source(%dma_start3A_5 : memref<200x128xi32, #tpu.memory_space<hbm>>) target(%arg5 : memref<200x128xi32, #tpu.memory_space<vmem>>) target_semaphore(%arg14 : memref<!tpu.dma_semaphore, #tpu.memory_space<semaphore_mem>>)
    %dma_wait3A = arith.constant 0 : i32
    %dma_wait3A_6 = tpu.memref_slice %arg2[%dma_wait3A, %mul3A_2] : memref<200x4096xi32, #tpu.memory_space<hbm>> -> memref<200x128xi32, #tpu.memory_space<hbm>>
    %dma_wait3A_7 = arith.constant 0 : i32
    %dma_wait3A_8 = tpu.memref_slice %arg2[%dma_wait3A_7, %mul3A_2] : memref<200x4096xi32, #tpu.memory_space<hbm>> -> memref<200x128xi32, #tpu.memory_space<hbm>>
    tpu.wait_dma2 semaphore(%arg14 : memref<!tpu.dma_semaphore, #tpu.memory_space<semaphore_mem>>) src(%dma_wait3A_8 : memref<200x128xi32, #tpu.memory_space<hbm>>) dst(%arg5 : memref<200x128xi32, #tpu.memory_space<vmem>>)
    %dma_start3A_9 = arith.constant 0 : i32
    %dma_start3A_10 = arith.constant 0 : i32
    %dma_start3A_11 = tpu.memref_slice %arg5[%dma_start3A_9, %dma_start3A_10] : memref<200x128xi32, #tpu.memory_space<vmem>> -> memref<1x128xi32, #tpu.memory_space<vmem>>
    %dma_start3A_12 = tpu.memref_squeeze %dma_start3A_11 : memref<1x128xi32, #tpu.memory_space<vmem>> -> memref<128xi32, #tpu.memory_space<vmem>>
    %dma_start3A_13 = arith.constant 0 : i32
    %dma_start3A_14 = arith.constant 0 : i32
    %dma_start3A_15 = tpu.memref_slice %arg3[%dma_start3A_13, %dma_start3A_14] : memref<1000000x64xf32, #tpu.memory_space<hbm>> -> memref<1000000x64xf32, #tpu.memory_space<hbm>>
    tpu.enqueue_indirect_dma source(%dma_start3A_15 : memref<1000000x64xf32, #tpu.memory_space<hbm>>) target(%arg6 : memref<128x64xf32, #tpu.memory_space<vmem>>) offsets(%dma_start3A_12 : memref<128xi32, #tpu.memory_space<vmem>>) semaphore(%arg15 : memref<!tpu.dma_semaphore, #tpu.memory_space<semaphore_mem>>)
    %dma_start3A_16 = arith.constant 1 : i32
    %dma_start3A_17 = arith.constant 0 : i32
    %dma_start3A_18 = tpu.memref_slice %arg5[%dma_start3A_16, %dma_start3A_17] : memref<200x128xi32, #tpu.memory_space<vmem>> -> memref<1x128xi32, #tpu.memory_space<vmem>>
    %dma_start3A_19 = tpu.memref_squeeze %dma_start3A_18 : memref<1x128xi32, #tpu.memory_space<vmem>> -> memref<128xi32, #tpu.memory_space<vmem>>
    %dma_start3A_20 = arith.constant 0 : i32
    %dma_start3A_21 = arith.constant 0 : i32
    %dma_start3A_22 = tpu.memref_slice %arg3[%dma_start3A_20, %dma_start3A_21] : memref<1000000x64xf32, #tpu.memory_space<hbm>> -> memref<1000000x64xf32, #tpu.memory_space<hbm>>
    tpu.enqueue_indirect_dma source(%dma_start3A_22 : memref<1000000x64xf32, #tpu.memory_space<hbm>>) target(%arg7 : memref<128x64xf32, #tpu.memory_space<vmem>>) offsets(%dma_start3A_19 : memref<128xi32, #tpu.memory_space<vmem>>) semaphore(%arg16 : memref<!tpu.dma_semaphore, #tpu.memory_space<semaphore_mem>>)
    %dma_start3A_23 = arith.constant 2 : i32
    %dma_start3A_24 = arith.constant 0 : i32
    %dma_start3A_25 = tpu.memref_slice %arg5[%dma_start3A_23, %dma_start3A_24] : memref<200x128xi32, #tpu.memory_space<vmem>> -> memref<1x128xi32, #tpu.memory_space<vmem>>
    %dma_start3A_26 = tpu.memref_squeeze %dma_start3A_25 : memref<1x128xi32, #tpu.memory_space<vmem>> -> memref<128xi32, #tpu.memory_space<vmem>>
    %dma_start3A_27 = arith.constant 0 : i32
    %dma_start3A_28 = arith.constant 0 : i32
    %dma_start3A_29 = tpu.memref_slice %arg3[%dma_start3A_27, %dma_start3A_28] : memref<1000000x64xf32, #tpu.memory_space<hbm>> -> memref<1000000x64xf32, #tpu.memory_space<hbm>>
    tpu.enqueue_indirect_dma source(%dma_start3A_29 : memref<1000000x64xf32, #tpu.memory_space<hbm>>) target(%arg8 : memref<128x64xf32, #tpu.memory_space<vmem>>) offsets(%dma_start3A_26 : memref<128xi32, #tpu.memory_space<vmem>>) semaphore(%arg17 : memref<!tpu.dma_semaphore, #tpu.memory_space<semaphore_mem>>)
    %dma_start3A_30 = arith.constant 3 : i32
    %dma_start3A_31 = arith.constant 0 : i32
    %dma_start3A_32 = tpu.memref_slice %arg5[%dma_start3A_30, %dma_start3A_31] : memref<200x128xi32, #tpu.memory_space<vmem>> -> memref<1x128xi32, #tpu.memory_space<vmem>>
    %dma_start3A_33 = tpu.memref_squeeze %dma_start3A_32 : memref<1x128xi32, #tpu.memory_space<vmem>> -> memref<128xi32, #tpu.memory_space<vmem>>
    %dma_start3A_34 = arith.constant 0 : i32
    %dma_start3A_35 = arith.constant 0 : i32
    %dma_start3A_36 = tpu.memref_slice %arg3[%dma_start3A_34, %dma_start3A_35] : memref<1000000x64xf32, #tpu.memory_space<hbm>> -> memref<1000000x64xf32, #tpu.memory_space<hbm>>
    tpu.enqueue_indirect_dma source(%dma_start3A_36 : memref<1000000x64xf32, #tpu.memory_space<hbm>>) target(%arg9 : memref<128x64xf32, #tpu.memory_space<vmem>>) offsets(%dma_start3A_33 : memref<128xi32, #tpu.memory_space<vmem>>) semaphore(%arg18 : memref<!tpu.dma_semaphore, #tpu.memory_space<semaphore_mem>>)
    %iota3A = tpu.iota {dimensions = array<i32: 0>} : vector<16xi32>
    %broadcast_in_dim3A = arith.constant 0 : i32
    %broadcast_in_dim3A_37 = vector.broadcast %broadcast_in_dim3A : i32 to vector<16xi32>
    %add3A_38 = arith.constant 0 : i32
    %add3A_39 = vector.broadcast %add3A_38 : i32 to vector<16xi32>
    %add3A_40 = arith.addi %iota3A, %add3A_39 : vector<16xi32>
    %jit3A = arith.constant 8 : i32
    %div3A = vector.broadcast %jit3A : i32 to vector<16xi32>
    %div3A_41 = arith.divsi %add3A_40, %div3A : vector<16xi32>
    %sign3A = arith.constant 0 : i32
    %sign3A_42 = vector.broadcast %sign3A : i32 to vector<16xi32>
    %sign3A_43 = arith.cmpi sgt, %add3A_40, %sign3A_42 : vector<16xi32>
    %sign3A_44 = arith.extui %sign3A_43 : vector<16xi1> to vector<16xi32>
    %sign3A_45 = arith.constant 0 : i32
    %sign3A_46 = vector.broadcast %sign3A_45 : i32 to vector<16xi32>
    %sign3A_47 = arith.cmpi slt, %add3A_40, %sign3A_46 : vector<16xi32>
    %sign3A_48 = arith.extui %sign3A_47 : vector<16xi1> to vector<16xi32>
    %sign3A_49 = arith.subi %sign3A_44, %sign3A_48 : vector<16xi32>
    %sign3A_50 = arith.constant 0 : i32
    %sign3A_51 = arith.cmpi sgt, %jit3A, %sign3A_50 : i32
    %sign3A_52 = arith.extui %sign3A_51 : i1 to i32
    %sign3A_53 = arith.constant 0 : i32
    %sign3A_54 = arith.cmpi slt, %jit3A, %sign3A_53 : i32
    %sign3A_55 = arith.extui %sign3A_54 : i1 to i32
    %sign3A_56 = arith.subi %sign3A_52, %sign3A_55 : i32
    %ne3A = vector.broadcast %sign3A_56 : i32 to vector<16xi32>
    %ne3A_57 = arith.cmpi ne, %sign3A_49, %ne3A : vector<16xi32>
    %rem3A = vector.broadcast %jit3A : i32 to vector<16xi32>
    %rem3A_58 = arith.remsi %add3A_40, %rem3A : vector<16xi32>
    %ne3A_59 = arith.constant 0 : i32
    %ne3A_60 = vector.broadcast %ne3A_59 : i32 to vector<16xi32>
    %ne3A_61 = arith.cmpi ne, %rem3A_58, %ne3A_60 : vector<16xi32>
    %and3A = arith.andi %ne3A_57, %ne3A_61 : vector<16xi1>
    %sub3A = arith.constant 1 : i32
    %sub3A_62 = vector.broadcast %sub3A : i32 to vector<16xi32>
    %sub3A_63 = arith.subi %div3A_41, %sub3A_62 : vector<16xi32>
    %select_n3A = arith.select %and3A, %sub3A_63, %div3A_41 : vector<16xi1>, vector<16xi32>
    %add3A_64 = arith.constant 16 : i32
    %add3A_65 = vector.broadcast %add3A_64 : i32 to vector<16xi32>
    %add3A_66 = arith.addi %iota3A, %add3A_65 : vector<16xi32>
    %jit3A_67 = arith.constant 8 : i32
    %div3A_68 = vector.broadcast %jit3A_67 : i32 to vector<16xi32>
    %div3A_69 = arith.divsi %add3A_66, %div3A_68 : vector<16xi32>
    %sign3A_70 = arith.constant 0 : i32
    %sign3A_71 = vector.broadcast %sign3A_70 : i32 to vector<16xi32>
    %sign3A_72 = arith.cmpi sgt, %add3A_66, %sign3A_71 : vector<16xi32>
    %sign3A_73 = arith.extui %sign3A_72 : vector<16xi1> to vector<16xi32>
    %sign3A_74 = arith.constant 0 : i32
    %sign3A_75 = vector.broadcast %sign3A_74 : i32 to vector<16xi32>
    %sign3A_76 = arith.cmpi slt, %add3A_66, %sign3A_75 : vector<16xi32>
    %sign3A_77 = arith.extui %sign3A_76 : vector<16xi1> to vector<16xi32>
    %sign3A_78 = arith.subi %sign3A_73, %sign3A_77 : vector<16xi32>
    %sign3A_79 = arith.constant 0 : i32
    %sign3A_80 = arith.cmpi sgt, %jit3A_67, %sign3A_79 : i32
    %sign3A_81 = arith.extui %sign3A_80 : i1 to i32
    %sign3A_82 = arith.constant 0 : i32
    %sign3A_83 = arith.cmpi slt, %jit3A_67, %sign3A_82 : i32
    %sign3A_84 = arith.extui %sign3A_83 : i1 to i32
    %sign3A_85 = arith.subi %sign3A_81, %sign3A_84 : i32
    %ne3A_86 = vector.broadcast %sign3A_85 : i32 to vector<16xi32>
    %ne3A_87 = arith.cmpi ne, %sign3A_78, %ne3A_86 : vector<16xi32>
    %rem3A_88 = vector.broadcast %jit3A_67 : i32 to vector<16xi32>
    %rem3A_89 = arith.remsi %add3A_66, %rem3A_88 : vector<16xi32>
    %ne3A_90 = arith.constant 0 : i32
    %ne3A_91 = vector.broadcast %ne3A_90 : i32 to vector<16xi32>
    %ne3A_92 = arith.cmpi ne, %rem3A_89, %ne3A_91 : vector<16xi32>
    %and3A_93 = arith.andi %ne3A_87, %ne3A_92 : vector<16xi1>
    %sub3A_94 = arith.constant 1 : i32
    %sub3A_95 = vector.broadcast %sub3A_94 : i32 to vector<16xi32>
    %sub3A_96 = arith.subi %div3A_69, %sub3A_95 : vector<16xi32>
    %select_n3A_97 = arith.select %and3A_93, %sub3A_96, %div3A_69 : vector<16xi1>, vector<16xi32>
    %add3A_98 = arith.constant 32 : i32
    %add3A_99 = vector.broadcast %add3A_98 : i32 to vector<16xi32>
    %add3A_100 = arith.addi %iota3A, %add3A_99 : vector<16xi32>
    %jit3A_101 = arith.constant 8 : i32
    %div3A_102 = vector.broadcast %jit3A_101 : i32 to vector<16xi32>
    %div3A_103 = arith.divsi %add3A_100, %div3A_102 : vector<16xi32>
    %sign3A_104 = arith.constant 0 : i32
    %sign3A_105 = vector.broadcast %sign3A_104 : i32 to vector<16xi32>
    %sign3A_106 = arith.cmpi sgt, %add3A_100, %sign3A_105 : vector<16xi32>
    %sign3A_107 = arith.extui %sign3A_106 : vector<16xi1> to vector<16xi32>
    %sign3A_108 = arith.constant 0 : i32
    %sign3A_109 = vector.broadcast %sign3A_108 : i32 to vector<16xi32>
    %sign3A_110 = arith.cmpi slt, %add3A_100, %sign3A_109 : vector<16xi32>
    %sign3A_111 = arith.extui %sign3A_110 : vector<16xi1> to vector<16xi32>
    %sign3A_112 = arith.subi %sign3A_107, %sign3A_111 : vector<16xi32>
    %sign3A_113 = arith.constant 0 : i32
    %sign3A_114 = arith.cmpi sgt, %jit3A_101, %sign3A_113 : i32
    %sign3A_115 = arith.extui %sign3A_114 : i1 to i32
    %sign3A_116 = arith.constant 0 : i32
    %sign3A_117 = arith.cmpi slt, %jit3A_101, %sign3A_116 : i32
    %sign3A_118 = arith.extui %sign3A_117 : i1 to i32
    %sign3A_119 = arith.subi %sign3A_115, %sign3A_118 : i32
    %ne3A_120 = vector.broadcast %sign3A_119 : i32 to vector<16xi32>
    %ne3A_121 = arith.cmpi ne, %sign3A_112, %ne3A_120 : vector<16xi32>
    %rem3A_122 = vector.broadcast %jit3A_101 : i32 to vector<16xi32>
    %rem3A_123 = arith.remsi %add3A_100, %rem3A_122 : vector<16xi32>
    %ne3A_124 = arith.constant 0 : i32
    %ne3A_125 = vector.broadcast %ne3A_124 : i32 to vector<16xi32>
    %ne3A_126 = arith.cmpi ne, %rem3A_123, %ne3A_125 : vector<16xi32>
    %and3A_127 = arith.andi %ne3A_121, %ne3A_126 : vector<16xi1>
    %sub3A_128 = arith.constant 1 : i32
    %sub3A_129 = vector.broadcast %sub3A_128 : i32 to vector<16xi32>
    %sub3A_130 = arith.subi %div3A_103, %sub3A_129 : vector<16xi32>
    %select_n3A_131 = arith.select %and3A_127, %sub3A_130, %div3A_103 : vector<16xi1>, vector<16xi32>
    %add3A_132 = arith.constant 48 : i32
    %add3A_133 = vector.broadcast %add3A_132 : i32 to vector<16xi32>
    %add3A_134 = arith.addi %iota3A, %add3A_133 : vector<16xi32>
    %jit3A_135 = arith.constant 8 : i32
    %div3A_136 = vector.broadcast %jit3A_135 : i32 to vector<16xi32>
    %div3A_137 = arith.divsi %add3A_134, %div3A_136 : vector<16xi32>
    %sign3A_138 = arith.constant 0 : i32
    %sign3A_139 = vector.broadcast %sign3A_138 : i32 to vector<16xi32>
    %sign3A_140 = arith.cmpi sgt, %add3A_134, %sign3A_139 : vector<16xi32>
    %sign3A_141 = arith.extui %sign3A_140 : vector<16xi1> to vector<16xi32>
    %sign3A_142 = arith.constant 0 : i32
    %sign3A_143 = vector.broadcast %sign3A_142 : i32 to vector<16xi32>
    %sign3A_144 = arith.cmpi slt, %add3A_134, %sign3A_143 : vector<16xi32>
    %sign3A_145 = arith.extui %sign3A_144 : vector<16xi1> to vector<16xi32>
    %sign3A_146 = arith.subi %sign3A_141, %sign3A_145 : vector<16xi32>
    %sign3A_147 = arith.constant 0 : i32
    %sign3A_148 = arith.cmpi sgt, %jit3A_135, %sign3A_147 : i32
    %sign3A_149 = arith.extui %sign3A_148 : i1 to i32
    %sign3A_150 = arith.constant 0 : i32
    %sign3A_151 = arith.cmpi slt, %jit3A_135, %sign3A_150 : i32
    %sign3A_152 = arith.extui %sign3A_151 : i1 to i32
    %sign3A_153 = arith.subi %sign3A_149, %sign3A_152 : i32
    %ne3A_154 = vector.broadcast %sign3A_153 : i32 to vector<16xi32>
    %ne3A_155 = arith.cmpi ne, %sign3A_146, %ne3A_154 : vector<16xi32>
    %rem3A_156 = vector.broadcast %jit3A_135 : i32 to vector<16xi32>
    %rem3A_157 = arith.remsi %add3A_134, %rem3A_156 : vector<16xi32>
    %ne3A_158 = arith.constant 0 : i32
    %ne3A_159 = vector.broadcast %ne3A_158 : i32 to vector<16xi32>
    %ne3A_160 = arith.cmpi ne, %rem3A_157, %ne3A_159 : vector<16xi32>
    %and3A_161 = arith.andi %ne3A_155, %ne3A_160 : vector<16xi1>
    %sub3A_162 = arith.constant 1 : i32
    %sub3A_163 = vector.broadcast %sub3A_162 : i32 to vector<16xi32>
    %sub3A_164 = arith.subi %div3A_137, %sub3A_163 : vector<16xi32>
    %select_n3A_165 = arith.select %and3A_161, %sub3A_164, %div3A_137 : vector<16xi1>, vector<16xi32>
    %add3A_166 = arith.constant 0 : i32
    %add3A_167 = vector.broadcast %add3A_166 : i32 to vector<16xi32>
    %add3A_168 = arith.addi %iota3A, %add3A_167 : vector<16xi32>
    %jit3A_169 = arith.constant 8 : i32
    %eq3A = arith.constant 0 : i32
    %eq3A_170 = arith.cmpi eq, %jit3A_169, %eq3A : i32
    %jit3A_171 = arith.constant 1 : i32
    %select_n3A_172 = arith.select %eq3A_170, %jit3A_171, %jit3A_169 : i32
    %rem3A_173 = vector.broadcast %select_n3A_172 : i32 to vector<16xi32>
    %rem3A_174 = arith.remsi %add3A_168, %rem3A_173 : vector<16xi32>
    %ne3A_175 = arith.constant 0 : i32
    %ne3A_176 = vector.broadcast %ne3A_175 : i32 to vector<16xi32>
    %ne3A_177 = arith.cmpi ne, %rem3A_174, %ne3A_176 : vector<16xi32>
    %lt3A = arith.constant 0 : i32
    %lt3A_178 = vector.broadcast %lt3A : i32 to vector<16xi32>
    %lt3A_179 = arith.cmpi slt, %rem3A_174, %lt3A_178 : vector<16xi32>
    %lt3A_180 = arith.constant 0 : i32
    %lt3A_181 = arith.cmpi slt, %select_n3A_172, %lt3A_180 : i32
    %ne3A_182 = vector.broadcast %lt3A_181 : i1 to vector<16xi1>
    %ne3A_183 = vector.broadcast %ne3A_182 : vector<16xi1> to vector<16xi1>
    %ne3A_184 = arith.xori %lt3A_179, %ne3A_183 : vector<16xi1>
    %and3A_185 = arith.andi %ne3A_184, %ne3A_177 : vector<16xi1>
    %add3A_186 = vector.broadcast %select_n3A_172 : i32 to vector<16xi32>
    %add3A_187 = arith.addi %rem3A_174, %add3A_186 : vector<16xi32>
    %select_n3A_188 = arith.select %and3A_185, %add3A_187, %rem3A_174 : vector<16xi1>, vector<16xi32>
    %add3A_189 = arith.constant 16 : i32
    %add3A_190 = vector.broadcast %add3A_189 : i32 to vector<16xi32>
    %add3A_191 = arith.addi %iota3A, %add3A_190 : vector<16xi32>
    %jit3A_192 = arith.constant 8 : i32
    %eq3A_193 = arith.constant 0 : i32
    %eq3A_194 = arith.cmpi eq, %jit3A_192, %eq3A_193 : i32
    %jit3A_195 = arith.constant 1 : i32
    %select_n3A_196 = arith.select %eq3A_194, %jit3A_195, %jit3A_192 : i32
    %rem3A_197 = vector.broadcast %select_n3A_196 : i32 to vector<16xi32>
    %rem3A_198 = arith.remsi %add3A_191, %rem3A_197 : vector<16xi32>
    %ne3A_199 = arith.constant 0 : i32
    %ne3A_200 = vector.broadcast %ne3A_199 : i32 to vector<16xi32>
    %ne3A_201 = arith.cmpi ne, %rem3A_198, %ne3A_200 : vector<16xi32>
    %lt3A_202 = arith.constant 0 : i32
    %lt3A_203 = vector.broadcast %lt3A_202 : i32 to vector<16xi32>
    %lt3A_204 = arith.cmpi slt, %rem3A_198, %lt3A_203 : vector<16xi32>
    %lt3A_205 = arith.constant 0 : i32
    %lt3A_206 = arith.cmpi slt, %select_n3A_196, %lt3A_205 : i32
    %ne3A_207 = vector.broadcast %lt3A_206 : i1 to vector<16xi1>
    %ne3A_208 = vector.broadcast %ne3A_207 : vector<16xi1> to vector<16xi1>
    %ne3A_209 = arith.xori %lt3A_204, %ne3A_208 : vector<16xi1>
    %and3A_210 = arith.andi %ne3A_209, %ne3A_201 : vector<16xi1>
    %add3A_211 = vector.broadcast %select_n3A_196 : i32 to vector<16xi32>
    %add3A_212 = arith.addi %rem3A_198, %add3A_211 : vector<16xi32>
    %select_n3A_213 = arith.select %and3A_210, %add3A_212, %rem3A_198 : vector<16xi1>, vector<16xi32>
    %add3A_214 = arith.constant 32 : i32
    %add3A_215 = vector.broadcast %add3A_214 : i32 to vector<16xi32>
    %add3A_216 = arith.addi %iota3A, %add3A_215 : vector<16xi32>
    %jit3A_217 = arith.constant 8 : i32
    %eq3A_218 = arith.constant 0 : i32
    %eq3A_219 = arith.cmpi eq, %jit3A_217, %eq3A_218 : i32
    %jit3A_220 = arith.constant 1 : i32
    %select_n3A_221 = arith.select %eq3A_219, %jit3A_220, %jit3A_217 : i32
    %rem3A_222 = vector.broadcast %select_n3A_221 : i32 to vector<16xi32>
    %rem3A_223 = arith.remsi %add3A_216, %rem3A_222 : vector<16xi32>
    %ne3A_224 = arith.constant 0 : i32
    %ne3A_225 = vector.broadcast %ne3A_224 : i32 to vector<16xi32>
    %ne3A_226 = arith.cmpi ne, %rem3A_223, %ne3A_225 : vector<16xi32>
    %lt3A_227 = arith.constant 0 : i32
    %lt3A_228 = vector.broadcast %lt3A_227 : i32 to vector<16xi32>
    %lt3A_229 = arith.cmpi slt, %rem3A_223, %lt3A_228 : vector<16xi32>
    %lt3A_230 = arith.constant 0 : i32
    %lt3A_231 = arith.cmpi slt, %select_n3A_221, %lt3A_230 : i32
    %ne3A_232 = vector.broadcast %lt3A_231 : i1 to vector<16xi1>
    %ne3A_233 = vector.broadcast %ne3A_232 : vector<16xi1> to vector<16xi1>
    %ne3A_234 = arith.xori %lt3A_229, %ne3A_233 : vector<16xi1>
    %and3A_235 = arith.andi %ne3A_234, %ne3A_226 : vector<16xi1>
    %add3A_236 = vector.broadcast %select_n3A_221 : i32 to vector<16xi32>
    %add3A_237 = arith.addi %rem3A_223, %add3A_236 : vector<16xi32>
    %select_n3A_238 = arith.select %and3A_235, %add3A_237, %rem3A_223 : vector<16xi1>, vector<16xi32>
    %add3A_239 = arith.constant 48 : i32
    %add3A_240 = vector.broadcast %add3A_239 : i32 to vector<16xi32>
    %add3A_241 = arith.addi %iota3A, %add3A_240 : vector<16xi32>
    %jit3A_242 = arith.constant 8 : i32
    %eq3A_243 = arith.constant 0 : i32
    %eq3A_244 = arith.cmpi eq, %jit3A_242, %eq3A_243 : i32
    %jit3A_245 = arith.constant 1 : i32
    %select_n3A_246 = arith.select %eq3A_244, %jit3A_245, %jit3A_242 : i32
    %rem3A_247 = vector.broadcast %select_n3A_246 : i32 to vector<16xi32>
    %rem3A_248 = arith.remsi %add3A_241, %rem3A_247 : vector<16xi32>
    %ne3A_249 = arith.constant 0 : i32
    %ne3A_250 = vector.broadcast %ne3A_249 : i32 to vector<16xi32>
    %ne3A_251 = arith.cmpi ne, %rem3A_248, %ne3A_250 : vector<16xi32>
    %lt3A_252 = arith.constant 0 : i32
    %lt3A_253 = vector.broadcast %lt3A_252 : i32 to vector<16xi32>
    %lt3A_254 = arith.cmpi slt, %rem3A_248, %lt3A_253 : vector<16xi32>
    %lt3A_255 = arith.constant 0 : i32
    %lt3A_256 = arith.cmpi slt, %select_n3A_246, %lt3A_255 : i32
    %ne3A_257 = vector.broadcast %lt3A_256 : i1 to vector<16xi1>
    %ne3A_258 = vector.broadcast %ne3A_257 : vector<16xi1> to vector<16xi1>
    %ne3A_259 = arith.xori %lt3A_254, %ne3A_258 : vector<16xi1>
    %and3A_260 = arith.andi %ne3A_259, %ne3A_251 : vector<16xi1>
    %add3A_261 = vector.broadcast %select_n3A_246 : i32 to vector<16xi32>
    %add3A_262 = arith.addi %rem3A_248, %add3A_261 : vector<16xi32>
    %select_n3A_263 = arith.select %and3A_260, %add3A_262, %rem3A_248 : vector<16xi1>, vector<16xi32>
    %scan3A = arith.constant 0 : i32
    %scan3A_264 = arith.constant 0 : i32
    %scan3A_265 = arith.constant 50 : i32
    %scan3A_266 = arith.addi %scan3A_264, %scan3A_265 : i32
    %scan3A_267 = arith.constant 1 : i32
    scf.for %scan3A_345 = %scan3A_264 to %scan3A_266 step %scan3A_267  : i32 {
      %mul3A_346 = arith.constant 4 : i32
      %mul3A_347 = arith.muli %scan3A_345, %mul3A_346 : i32
      %add3A_348 = arith.constant 0 : i32
      %add3A_349 = arith.addi %mul3A_347, %add3A_348 : i32
      %dma_wait3A_350 = arith.constant 0 : i32
      %dma_wait3A_351 = tpu.memref_slice %arg5[%add3A_349, %dma_wait3A_350] : memref<200x128xi32, #tpu.memory_space<vmem>> -> memref<1x128xi32, #tpu.memory_space<vmem>>
      %dma_wait3A_352 = tpu.memref_squeeze %dma_wait3A_351 : memref<1x128xi32, #tpu.memory_space<vmem>> -> memref<128xi32, #tpu.memory_space<vmem>>
      %dma_wait3A_353 = arith.constant 0 : i32
      %dma_wait3A_354 = arith.constant 0 : i32
      %dma_wait3A_355 = tpu.memref_slice %arg3[%dma_wait3A_353, %dma_wait3A_354] : memref<1000000x64xf32, #tpu.memory_space<hbm>> -> memref<1000000x64xf32, #tpu.memory_space<hbm>>
      tpu.wait_indirect_dma semaphore(%arg15 : memref<!tpu.dma_semaphore, #tpu.memory_space<semaphore_mem>>) src(%dma_wait3A_355 : memref<1000000x64xf32, #tpu.memory_space<hbm>>) dst(%arg6 : memref<128x64xf32, #tpu.memory_space<vmem>>)
      %gt3A = arith.constant 0 : i32
      %gt3A_356 = arith.cmpi sgt, %scan3A_345, %gt3A : i32
      %convert_element_type3A = arith.extui %gt3A_356 : i1 to i32
      %cond3A = arith.constant 0 : i32
      %cond3A_357 = arith.cmpi ne, %convert_element_type3A, %cond3A : i32
      scf.if %cond3A_357 {
        %dma_wait3A_506 = arith.constant 0 : i32
        %dma_wait3A_507 = arith.constant 0 : i32
        %dma_wait3A_508 = arith.constant 0 : i32
        %dma_wait3A_509 = tpu.memref_slice %arg10[%dma_wait3A_506, %dma_wait3A_507, %dma_wait3A_508] : memref<8x8x129xf32, #tpu.memory_space<vmem>> -> memref<8x8x128xf32, #tpu.memory_space<vmem>>
        %dma_wait3A_510 = arith.constant 0 : i32
        %dma_wait3A_511 = arith.constant 0 : i32
        %dma_wait3A_512 = arith.constant 0 : i32
        %dma_wait3A_513 = tpu.memref_slice %arg4[%add3A_349, %dma_wait3A_510, %add3A, %dma_wait3A_511, %dma_wait3A_512] : memref<200x8x32x8x128xf32, #tpu.memory_space<hbm>> -> memref<1x8x1x8x128xf32, #tpu.memory_space<hbm>>
        %dma_wait3A_514 = tpu.memref_squeeze %dma_wait3A_513 : memref<1x8x1x8x128xf32, #tpu.memory_space<hbm>> -> memref<8x8x128xf32, #tpu.memory_space<hbm>>
        %dma_wait3A_515 = arith.constant 0 : i32
        %dma_wait3A_516 = arith.constant 0 : i32
        %dma_wait3A_517 = arith.constant 0 : i32
        %dma_wait3A_518 = tpu.memref_slice %arg4[%add3A_349, %dma_wait3A_515, %add3A, %dma_wait3A_516, %dma_wait3A_517] : memref<200x8x32x8x128xf32, #tpu.memory_space<hbm>> -> memref<1x8x1x8x128xf32, #tpu.memory_space<hbm>>
        %dma_wait3A_519 = tpu.memref_squeeze %dma_wait3A_518 : memref<1x8x1x8x128xf32, #tpu.memory_space<hbm>> -> memref<8x8x128xf32, #tpu.memory_space<hbm>>
        %dma_wait3A_520 = arith.constant 0 : i32
        %dma_wait3A_521 = arith.constant 0 : i32
        %dma_wait3A_522 = arith.constant 0 : i32
        %dma_wait3A_523 = tpu.memref_slice %arg10[%dma_wait3A_520, %dma_wait3A_521, %dma_wait3A_522] : memref<8x8x129xf32, #tpu.memory_space<vmem>> -> memref<8x8x128xf32, #tpu.memory_space<vmem>>
        tpu.wait_dma2 semaphore(%arg19 : memref<!tpu.dma_semaphore, #tpu.memory_space<semaphore_mem>>) src(%dma_wait3A_523 : memref<8x8x128xf32, #tpu.memory_space<vmem>>) dst(%dma_wait3A_519 : memref<8x8x128xf32, #tpu.memory_space<hbm>>)
      } else {
      }
      %parallel_loop3A = arith.constant 0 : i32
      %parallel_loop3A_358 = arith.constant 128 : i32
      %parallel_loop3A_359 = arith.constant 1 : i32
      scf.for %parallel_loop3A_506 = %parallel_loop3A to %parallel_loop3A_358 step %parallel_loop3A_359  : i32 {
        %parallel_loop3A_507 = vector.broadcast %parallel_loop3A_506 : i32 to vector<16xi32>
        %parallel_loop3A_508 = arith.addi %broadcast_in_dim3A_37, %parallel_loop3A_507 : vector<16xi32>
        %parallel_loop3A_509 = arith.index_cast %parallel_loop3A_506 : i32 to index
        %parallel_loop3A_510 = arith.constant 0 : index
        %parallel_loop3A_511 = tpu.vector_load %arg6[%parallel_loop3A_509, %parallel_loop3A_510] {strides = array<i32>} : memref<128x64xf32, #tpu.memory_space<vmem>>, vector<16xf32>,
        %parallel_loop3A_512 = arith.constant 8.000000e+00 : f32
        %parallel_loop3A_513 = vector.broadcast %parallel_loop3A_512 : f32 to vector<16xf32>
        %parallel_loop3A_514 = arith.mulf %parallel_loop3A_511, %parallel_loop3A_513 : vector<16xf32>
        tpu.vector_store_idx %arg10[%select_n3A, %select_n3A_188, %parallel_loop3A_508], %parallel_loop3A_514 : memref<8x8x129xf32, #tpu.memory_space<vmem>>[vector<16xi32>, vector<16xi32>, vector<16xi32>], vector<16xf32>,
        %parallel_loop3A_515 = arith.index_cast %parallel_loop3A_506 : i32 to index
        %parallel_loop3A_516 = arith.constant 16 : index
        %parallel_loop3A_517 = tpu.vector_load %arg6[%parallel_loop3A_515, %parallel_loop3A_516] {strides = array<i32>} : memref<128x64xf32, #tpu.memory_space<vmem>>, vector<16xf32>,
        %parallel_loop3A_518 = arith.constant 8.000000e+00 : f32
        %parallel_loop3A_519 = vector.broadcast %parallel_loop3A_518 : f32 to vector<16xf32>
        %parallel_loop3A_520 = arith.mulf %parallel_loop3A_517, %parallel_loop3A_519 : vector<16xf32>
        tpu.vector_store_idx %arg10[%select_n3A_97, %select_n3A_213, %parallel_loop3A_508], %parallel_loop3A_520 : memref<8x8x129xf32, #tpu.memory_space<vmem>>[vector<16xi32>, vector<16xi32>, vector<16xi32>], vector<16xf32>,
        %parallel_loop3A_521 = arith.index_cast %parallel_loop3A_506 : i32 to index
        %parallel_loop3A_522 = arith.constant 32 : index
        %parallel_loop3A_523 = tpu.vector_load %arg6[%parallel_loop3A_521, %parallel_loop3A_522] {strides = array<i32>} : memref<128x64xf32, #tpu.memory_space<vmem>>, vector<16xf32>,
        %parallel_loop3A_524 = arith.constant 8.000000e+00 : f32
        %parallel_loop3A_525 = vector.broadcast %parallel_loop3A_524 : f32 to vector<16xf32>
        %parallel_loop3A_526 = arith.mulf %parallel_loop3A_523, %parallel_loop3A_525 : vector<16xf32>
        tpu.vector_store_idx %arg10[%select_n3A_131, %select_n3A_238, %parallel_loop3A_508], %parallel_loop3A_526 : memref<8x8x129xf32, #tpu.memory_space<vmem>>[vector<16xi32>, vector<16xi32>, vector<16xi32>], vector<16xf32>,
        %parallel_loop3A_527 = arith.index_cast %parallel_loop3A_506 : i32 to index
        %parallel_loop3A_528 = arith.constant 48 : index
        %parallel_loop3A_529 = tpu.vector_load %arg6[%parallel_loop3A_527, %parallel_loop3A_528] {strides = array<i32>} : memref<128x64xf32, #tpu.memory_space<vmem>>, vector<16xf32>,
        %parallel_loop3A_530 = arith.constant 8.000000e+00 : f32
        %parallel_loop3A_531 = vector.broadcast %parallel_loop3A_530 : f32 to vector<16xf32>
        %parallel_loop3A_532 = arith.mulf %parallel_loop3A_529, %parallel_loop3A_531 : vector<16xf32>
        tpu.vector_store_idx %arg10[%select_n3A_165, %select_n3A_263, %parallel_loop3A_508], %parallel_loop3A_532 : memref<8x8x129xf32, #tpu.memory_space<vmem>>[vector<16xi32>, vector<16xi32>, vector<16xi32>], vector<16xf32>,
      } {sc.loop_unroll_factor = 4 : i64, sc.parallel_access}
      %lt3A_360 = arith.constant 49 : i32
      %lt3A_361 = arith.cmpi slt, %scan3A_345, %lt3A_360 : i32
      %convert_element_type3A_362 = arith.extui %lt3A_361 : i1 to i32
      %cond3A_363 = arith.constant 0 : i32
      %cond3A_364 = arith.cmpi ne, %convert_element_type3A_362, %cond3A_363 : i32
      scf.if %cond3A_364 {
        %add3A_506 = arith.constant 4 : i32
        %add3A_507 = arith.addi %add3A_349, %add3A_506 : i32
        %dma_start3A_508 = arith.constant 0 : i32
        %dma_start3A_509 = tpu.memref_slice %arg5[%add3A_507, %dma_start3A_508] : memref<200x128xi32, #tpu.memory_space<vmem>> -> memref<1x128xi32, #tpu.memory_space<vmem>>
        %dma_start3A_510 = tpu.memref_squeeze %dma_start3A_509 : memref<1x128xi32, #tpu.memory_space<vmem>> -> memref<128xi32, #tpu.memory_space<vmem>>
        %dma_start3A_511 = arith.constant 0 : i32
        %dma_start3A_512 = arith.constant 0 : i32
        %dma_start3A_513 = tpu.memref_slice %arg3[%dma_start3A_511, %dma_start3A_512] : memref<1000000x64xf32, #tpu.memory_space<hbm>> -> memref<1000000x64xf32, #tpu.memory_space<hbm>>
        tpu.enqueue_indirect_dma source(%dma_start3A_513 : memref<1000000x64xf32, #tpu.memory_space<hbm>>) target(%arg6 : memref<128x64xf32, #tpu.memory_space<vmem>>) offsets(%dma_start3A_510 : memref<128xi32, #tpu.memory_space<vmem>>) semaphore(%arg15 : memref<!tpu.dma_semaphore, #tpu.memory_space<semaphore_mem>>)
      } else {
      }
      %dma_start3A_365 = arith.constant 0 : i32
      %dma_start3A_366 = arith.constant 0 : i32
      %dma_start3A_367 = arith.constant 0 : i32
      %dma_start3A_368 = tpu.memref_slice %arg10[%dma_start3A_365, %dma_start3A_366, %dma_start3A_367] : memref<8x8x129xf32, #tpu.memory_space<vmem>> -> memref<8x8x128xf32, #tpu.memory_space<vmem>>
      %dma_start3A_369 = arith.constant 0 : i32
      %dma_start3A_370 = arith.constant 0 : i32
      %dma_start3A_371 = arith.constant 0 : i32
      %dma_start3A_372 = tpu.memref_slice %arg4[%add3A_349, %dma_start3A_369, %add3A, %dma_start3A_370, %dma_start3A_371] : memref<200x8x32x8x128xf32, #tpu.memory_space<hbm>> -> memref<1x8x1x8x128xf32, #tpu.memory_space<hbm>>
      %dma_start3A_373 = tpu.memref_squeeze %dma_start3A_372 : memref<1x8x1x8x128xf32, #tpu.memory_space<hbm>> -> memref<8x8x128xf32, #tpu.memory_space<hbm>>
      %dma_start3A_374 = arith.constant 0 : i32
      %dma_start3A_375 = arith.constant 0 : i32
      %dma_start3A_376 = arith.constant 0 : i32
      %dma_start3A_377 = tpu.memref_slice %arg4[%add3A_349, %dma_start3A_374, %add3A, %dma_start3A_375, %dma_start3A_376] : memref<200x8x32x8x128xf32, #tpu.memory_space<hbm>> -> memref<1x8x1x8x128xf32, #tpu.memory_space<hbm>>
      %dma_start3A_378 = tpu.memref_squeeze %dma_start3A_377 : memref<1x8x1x8x128xf32, #tpu.memory_space<hbm>> -> memref<8x8x128xf32, #tpu.memory_space<hbm>>
      %dma_start3A_379 = arith.constant 0 : i32
      %dma_start3A_380 = arith.constant 0 : i32
      %dma_start3A_381 = arith.constant 0 : i32
      %dma_start3A_382 = tpu.memref_slice %arg10[%dma_start3A_379, %dma_start3A_380, %dma_start3A_381] : memref<8x8x129xf32, #tpu.memory_space<vmem>> -> memref<8x8x128xf32, #tpu.memory_space<vmem>>
      tpu.enqueue_dma source(%dma_start3A_382 : memref<8x8x128xf32, #tpu.memory_space<vmem>>) target(%dma_start3A_378 : memref<8x8x128xf32, #tpu.memory_space<hbm>>) target_semaphore(%arg19 : memref<!tpu.dma_semaphore, #tpu.memory_space<semaphore_mem>>)
      %mul3A_383 = arith.constant 4 : i32
      %mul3A_384 = arith.muli %scan3A_345, %mul3A_383 : i32
      %add3A_385 = arith.constant 1 : i32
      %add3A_386 = arith.addi %mul3A_384, %add3A_385 : i32
      %dma_wait3A_387 = arith.constant 0 : i32
      %dma_wait3A_388 = tpu.memref_slice %arg5[%add3A_386, %dma_wait3A_387] : memref<200x128xi32, #tpu.memory_space<vmem>> -> memref<1x128xi32, #tpu.memory_space<vmem>>
      %dma_wait3A_389 = tpu.memref_squeeze %dma_wait3A_388 : memref<1x128xi32, #tpu.memory_space<vmem>> -> memref<128xi32, #tpu.memory_space<vmem>>
      %dma_wait3A_390 = arith.constant 0 : i32
      %dma_wait3A_391 = arith.constant 0 : i32
      %dma_wait3A_392 = tpu.memref_slice %arg3[%dma_wait3A_390, %dma_wait3A_391] : memref<1000000x64xf32, #tpu.memory_space<hbm>> -> memref<1000000x64xf32, #tpu.memory_space<hbm>>
      tpu.wait_indirect_dma semaphore(%arg16 : memref<!tpu.dma_semaphore, #tpu.memory_space<semaphore_mem>>) src(%dma_wait3A_392 : memref<1000000x64xf32, #tpu.memory_space<hbm>>) dst(%arg7 : memref<128x64xf32, #tpu.memory_space<vmem>>)
      %gt3A_393 = arith.constant 0 : i32
      %gt3A_394 = arith.cmpi sgt, %scan3A_345, %gt3A_393 : i32
      %convert_element_type3A_395 = arith.extui %gt3A_394 : i1 to i32
      %cond3A_396 = arith.constant 0 : i32
      %cond3A_397 = arith.cmpi ne, %convert_element_type3A_395, %cond3A_396 : i32
      scf.if %cond3A_397 {
        %dma_wait3A_506 = arith.constant 0 : i32
        %dma_wait3A_507 = arith.constant 0 : i32
        %dma_wait3A_508 = arith.constant 0 : i32
        %dma_wait3A_509 = tpu.memref_slice %arg11[%dma_wait3A_506, %dma_wait3A_507, %dma_wait3A_508] : memref<8x8x129xf32, #tpu.memory_space<vmem>> -> memref<8x8x128xf32, #tpu.memory_space<vmem>>
        %dma_wait3A_510 = arith.constant 0 : i32
        %dma_wait3A_511 = arith.constant 0 : i32
        %dma_wait3A_512 = arith.constant 0 : i32
        %dma_wait3A_513 = tpu.memref_slice %arg4[%add3A_386, %dma_wait3A_510, %add3A, %dma_wait3A_511, %dma_wait3A_512] : memref<200x8x32x8x128xf32, #tpu.memory_space<hbm>> -> memref<1x8x1x8x128xf32, #tpu.memory_space<hbm>>
        %dma_wait3A_514 = tpu.memref_squeeze %dma_wait3A_513 : memref<1x8x1x8x128xf32, #tpu.memory_space<hbm>> -> memref<8x8x128xf32, #tpu.memory_space<hbm>>
        %dma_wait3A_515 = arith.constant 0 : i32
        %dma_wait3A_516 = arith.constant 0 : i32
        %dma_wait3A_517 = arith.constant 0 : i32
        %dma_wait3A_518 = tpu.memref_slice %arg4[%add3A_386, %dma_wait3A_515, %add3A, %dma_wait3A_516, %dma_wait3A_517] : memref<200x8x32x8x128xf32, #tpu.memory_space<hbm>> -> memref<1x8x1x8x128xf32, #tpu.memory_space<hbm>>
        %dma_wait3A_519 = tpu.memref_squeeze %dma_wait3A_518 : memref<1x8x1x8x128xf32, #tpu.memory_space<hbm>> -> memref<8x8x128xf32, #tpu.memory_space<hbm>>
        %dma_wait3A_520 = arith.constant 0 : i32
        %dma_wait3A_521 = arith.constant 0 : i32
        %dma_wait3A_522 = arith.constant 0 : i32
        %dma_wait3A_523 = tpu.memref_slice %arg11[%dma_wait3A_520, %dma_wait3A_521, %dma_wait3A_522] : memref<8x8x129xf32, #tpu.memory_space<vmem>> -> memref<8x8x128xf32, #tpu.memory_space<vmem>>
        tpu.wait_dma2 semaphore(%arg20 : memref<!tpu.dma_semaphore, #tpu.memory_space<semaphore_mem>>) src(%dma_wait3A_523 : memref<8x8x128xf32, #tpu.memory_space<vmem>>) dst(%dma_wait3A_519 : memref<8x8x128xf32, #tpu.memory_space<hbm>>)
      } else {
      }
      %parallel_loop3A_398 = arith.constant 0 : i32
      %parallel_loop3A_399 = arith.constant 128 : i32
      %parallel_loop3A_400 = arith.constant 1 : i32
      scf.for %parallel_loop3A_506 = %parallel_loop3A_398 to %parallel_loop3A_399 step %parallel_loop3A_400  : i32 {
        %parallel_loop3A_507 = vector.broadcast %parallel_loop3A_506 : i32 to vector<16xi32>
        %parallel_loop3A_508 = arith.addi %broadcast_in_dim3A_37, %parallel_loop3A_507 : vector<16xi32>
        %parallel_loop3A_509 = arith.index_cast %parallel_loop3A_506 : i32 to index
        %parallel_loop3A_510 = arith.constant 0 : index
        %parallel_loop3A_511 = tpu.vector_load %arg7[%parallel_loop3A_509, %parallel_loop3A_510] {strides = array<i32>} : memref<128x64xf32, #tpu.memory_space<vmem>>, vector<16xf32>,
        %parallel_loop3A_512 = arith.constant 8.000000e+00 : f32
        %parallel_loop3A_513 = vector.broadcast %parallel_loop3A_512 : f32 to vector<16xf32>
        %parallel_loop3A_514 = arith.mulf %parallel_loop3A_511, %parallel_loop3A_513 : vector<16xf32>
        tpu.vector_store_idx %arg11[%select_n3A, %select_n3A_188, %parallel_loop3A_508], %parallel_loop3A_514 : memref<8x8x129xf32, #tpu.memory_space<vmem>>[vector<16xi32>, vector<16xi32>, vector<16xi32>], vector<16xf32>,
        %parallel_loop3A_515 = arith.index_cast %parallel_loop3A_506 : i32 to index
        %parallel_loop3A_516 = arith.constant 16 : index
        %parallel_loop3A_517 = tpu.vector_load %arg7[%parallel_loop3A_515, %parallel_loop3A_516] {strides = array<i32>} : memref<128x64xf32, #tpu.memory_space<vmem>>, vector<16xf32>,
        %parallel_loop3A_518 = arith.constant 8.000000e+00 : f32
        %parallel_loop3A_519 = vector.broadcast %parallel_loop3A_518 : f32 to vector<16xf32>
        %parallel_loop3A_520 = arith.mulf %parallel_loop3A_517, %parallel_loop3A_519 : vector<16xf32>
        tpu.vector_store_idx %arg11[%select_n3A_97, %select_n3A_213, %parallel_loop3A_508], %parallel_loop3A_520 : memref<8x8x129xf32, #tpu.memory_space<vmem>>[vector<16xi32>, vector<16xi32>, vector<16xi32>], vector<16xf32>,
        %parallel_loop3A_521 = arith.index_cast %parallel_loop3A_506 : i32 to index
        %parallel_loop3A_522 = arith.constant 32 : index
        %parallel_loop3A_523 = tpu.vector_load %arg7[%parallel_loop3A_521, %parallel_loop3A_522] {strides = array<i32>} : memref<128x64xf32, #tpu.memory_space<vmem>>, vector<16xf32>,
        %parallel_loop3A_524 = arith.constant 8.000000e+00 : f32
        %parallel_loop3A_525 = vector.broadcast %parallel_loop3A_524 : f32 to vector<16xf32>
        %parallel_loop3A_526 = arith.mulf %parallel_loop3A_523, %parallel_loop3A_525 : vector<16xf32>
        tpu.vector_store_idx %arg11[%select_n3A_131, %select_n3A_238, %parallel_loop3A_508], %parallel_loop3A_526 : memref<8x8x129xf32, #tpu.memory_space<vmem>>[vector<16xi32>, vector<16xi32>, vector<16xi32>], vector<16xf32>,
        %parallel_loop3A_527 = arith.index_cast %parallel_loop3A_506 : i32 to index
        %parallel_loop3A_528 = arith.constant 48 : index
        %parallel_loop3A_529 = tpu.vector_load %arg7[%parallel_loop3A_527, %parallel_loop3A_528] {strides = array<i32>} : memref<128x64xf32, #tpu.memory_space<vmem>>, vector<16xf32>,
        %parallel_loop3A_530 = arith.constant 8.000000e+00 : f32
        %parallel_loop3A_531 = vector.broadcast %parallel_loop3A_530 : f32 to vector<16xf32>
        %parallel_loop3A_532 = arith.mulf %parallel_loop3A_529, %parallel_loop3A_531 : vector<16xf32>
        tpu.vector_store_idx %arg11[%select_n3A_165, %select_n3A_263, %parallel_loop3A_508], %parallel_loop3A_532 : memref<8x8x129xf32, #tpu.memory_space<vmem>>[vector<16xi32>, vector<16xi32>, vector<16xi32>], vector<16xf32>,
      } {sc.loop_unroll_factor = 4 : i64, sc.parallel_access}
      %lt3A_401 = arith.constant 49 : i32
      %lt3A_402 = arith.cmpi slt, %scan3A_345, %lt3A_401 : i32
      %convert_element_type3A_403 = arith.extui %lt3A_402 : i1 to i32
      %cond3A_404 = arith.constant 0 : i32
      %cond3A_405 = arith.cmpi ne, %convert_element_type3A_403, %cond3A_404 : i32
      scf.if %cond3A_405 {
        %add3A_506 = arith.constant 4 : i32
        %add3A_507 = arith.addi %add3A_386, %add3A_506 : i32
        %dma_start3A_508 = arith.constant 0 : i32
        %dma_start3A_509 = tpu.memref_slice %arg5[%add3A_507, %dma_start3A_508] : memref<200x128xi32, #tpu.memory_space<vmem>> -> memref<1x128xi32, #tpu.memory_space<vmem>>
        %dma_start3A_510 = tpu.memref_squeeze %dma_start3A_509 : memref<1x128xi32, #tpu.memory_space<vmem>> -> memref<128xi32, #tpu.memory_space<vmem>>
        %dma_start3A_511 = arith.constant 0 : i32
        %dma_start3A_512 = arith.constant 0 : i32
        %dma_start3A_513 = tpu.memref_slice %arg3[%dma_start3A_511, %dma_start3A_512] : memref<1000000x64xf32, #tpu.memory_space<hbm>> -> memref<1000000x64xf32, #tpu.memory_space<hbm>>
        tpu.enqueue_indirect_dma source(%dma_start3A_513 : memref<1000000x64xf32, #tpu.memory_space<hbm>>) target(%arg7 : memref<128x64xf32, #tpu.memory_space<vmem>>) offsets(%dma_start3A_510 : memref<128xi32, #tpu.memory_space<vmem>>) semaphore(%arg16 : memref<!tpu.dma_semaphore, #tpu.memory_space<semaphore_mem>>)
      } else {
      }
      %dma_start3A_406 = arith.constant 0 : i32
      %dma_start3A_407 = arith.constant 0 : i32
      %dma_start3A_408 = arith.constant 0 : i32
      %dma_start3A_409 = tpu.memref_slice %arg11[%dma_start3A_406, %dma_start3A_407, %dma_start3A_408] : memref<8x8x129xf32, #tpu.memory_space<vmem>> -> memref<8x8x128xf32, #tpu.memory_space<vmem>>
      %dma_start3A_410 = arith.constant 0 : i32
      %dma_start3A_411 = arith.constant 0 : i32
      %dma_start3A_412 = arith.constant 0 : i32
      %dma_start3A_413 = tpu.memref_slice %arg4[%add3A_386, %dma_start3A_410, %add3A, %dma_start3A_411, %dma_start3A_412] : memref<200x8x32x8x128xf32, #tpu.memory_space<hbm>> -> memref<1x8x1x8x128xf32, #tpu.memory_space<hbm>>
      %dma_start3A_414 = tpu.memref_squeeze %dma_start3A_413 : memref<1x8x1x8x128xf32, #tpu.memory_space<hbm>> -> memref<8x8x128xf32, #tpu.memory_space<hbm>>
      %dma_start3A_415 = arith.constant 0 : i32
      %dma_start3A_416 = arith.constant 0 : i32
      %dma_start3A_417 = arith.constant 0 : i32
      %dma_start3A_418 = tpu.memref_slice %arg4[%add3A_386, %dma_start3A_415, %add3A, %dma_start3A_416, %dma_start3A_417] : memref<200x8x32x8x128xf32, #tpu.memory_space<hbm>> -> memref<1x8x1x8x128xf32, #tpu.memory_space<hbm>>
      %dma_start3A_419 = tpu.memref_squeeze %dma_start3A_418 : memref<1x8x1x8x128xf32, #tpu.memory_space<hbm>> -> memref<8x8x128xf32, #tpu.memory_space<hbm>>
      %dma_start3A_420 = arith.constant 0 : i32
      %dma_start3A_421 = arith.constant 0 : i32
      %dma_start3A_422 = arith.constant 0 : i32
      %dma_start3A_423 = tpu.memref_slice %arg11[%dma_start3A_420, %dma_start3A_421, %dma_start3A_422] : memref<8x8x129xf32, #tpu.memory_space<vmem>> -> memref<8x8x128xf32, #tpu.memory_space<vmem>>
      tpu.enqueue_dma source(%dma_start3A_423 : memref<8x8x128xf32, #tpu.memory_space<vmem>>) target(%dma_start3A_419 : memref<8x8x128xf32, #tpu.memory_space<hbm>>) target_semaphore(%arg20 : memref<!tpu.dma_semaphore, #tpu.memory_space<semaphore_mem>>)
      %mul3A_424 = arith.constant 4 : i32
      %mul3A_425 = arith.muli %scan3A_345, %mul3A_424 : i32
      %add3A_426 = arith.constant 2 : i32
      %add3A_427 = arith.addi %mul3A_425, %add3A_426 : i32
      %dma_wait3A_428 = arith.constant 0 : i32
      %dma_wait3A_429 = tpu.memref_slice %arg5[%add3A_427, %dma_wait3A_428] : memref<200x128xi32, #tpu.memory_space<vmem>> -> memref<1x128xi32, #tpu.memory_space<vmem>>
      %dma_wait3A_430 = tpu.memref_squeeze %dma_wait3A_429 : memref<1x128xi32, #tpu.memory_space<vmem>> -> memref<128xi32, #tpu.memory_space<vmem>>
      %dma_wait3A_431 = arith.constant 0 : i32
      %dma_wait3A_432 = arith.constant 0 : i32
      %dma_wait3A_433 = tpu.memref_slice %arg3[%dma_wait3A_431, %dma_wait3A_432] : memref<1000000x64xf32, #tpu.memory_space<hbm>> -> memref<1000000x64xf32, #tpu.memory_space<hbm>>
      tpu.wait_indirect_dma semaphore(%arg17 : memref<!tpu.dma_semaphore, #tpu.memory_space<semaphore_mem>>) src(%dma_wait3A_433 : memref<1000000x64xf32, #tpu.memory_space<hbm>>) dst(%arg8 : memref<128x64xf32, #tpu.memory_space<vmem>>)
      %gt3A_434 = arith.constant 0 : i32
      %gt3A_435 = arith.cmpi sgt, %scan3A_345, %gt3A_434 : i32
      %convert_element_type3A_436 = arith.extui %gt3A_435 : i1 to i32
      %cond3A_437 = arith.constant 0 : i32
      %cond3A_438 = arith.cmpi ne, %convert_element_type3A_436, %cond3A_437 : i32
      scf.if %cond3A_438 {
        %dma_wait3A_506 = arith.constant 0 : i32
        %dma_wait3A_507 = arith.constant 0 : i32
        %dma_wait3A_508 = arith.constant 0 : i32
        %dma_wait3A_509 = tpu.memref_slice %arg12[%dma_wait3A_506, %dma_wait3A_507, %dma_wait3A_508] : memref<8x8x129xf32, #tpu.memory_space<vmem>> -> memref<8x8x128xf32, #tpu.memory_space<vmem>>
        %dma_wait3A_510 = arith.constant 0 : i32
        %dma_wait3A_511 = arith.constant 0 : i32
        %dma_wait3A_512 = arith.constant 0 : i32
        %dma_wait3A_513 = tpu.memref_slice %arg4[%add3A_427, %dma_wait3A_510, %add3A, %dma_wait3A_511, %dma_wait3A_512] : memref<200x8x32x8x128xf32, #tpu.memory_space<hbm>> -> memref<1x8x1x8x128xf32, #tpu.memory_space<hbm>>
        %dma_wait3A_514 = tpu.memref_squeeze %dma_wait3A_513 : memref<1x8x1x8x128xf32, #tpu.memory_space<hbm>> -> memref<8x8x128xf32, #tpu.memory_space<hbm>>
        %dma_wait3A_515 = arith.constant 0 : i32
        %dma_wait3A_516 = arith.constant 0 : i32
        %dma_wait3A_517 = arith.constant 0 : i32
        %dma_wait3A_518 = tpu.memref_slice %arg4[%add3A_427, %dma_wait3A_515, %add3A, %dma_wait3A_516, %dma_wait3A_517] : memref<200x8x32x8x128xf32, #tpu.memory_space<hbm>> -> memref<1x8x1x8x128xf32, #tpu.memory_space<hbm>>
        %dma_wait3A_519 = tpu.memref_squeeze %dma_wait3A_518 : memref<1x8x1x8x128xf32, #tpu.memory_space<hbm>> -> memref<8x8x128xf32, #tpu.memory_space<hbm>>
        %dma_wait3A_520 = arith.constant 0 : i32
        %dma_wait3A_521 = arith.constant 0 : i32
        %dma_wait3A_522 = arith.constant 0 : i32
        %dma_wait3A_523 = tpu.memref_slice %arg12[%dma_wait3A_520, %dma_wait3A_521, %dma_wait3A_522] : memref<8x8x129xf32, #tpu.memory_space<vmem>> -> memref<8x8x128xf32, #tpu.memory_space<vmem>>
        tpu.wait_dma2 semaphore(%arg21 : memref<!tpu.dma_semaphore, #tpu.memory_space<semaphore_mem>>) src(%dma_wait3A_523 : memref<8x8x128xf32, #tpu.memory_space<vmem>>) dst(%dma_wait3A_519 : memref<8x8x128xf32, #tpu.memory_space<hbm>>)
      } else {
      }
      %parallel_loop3A_439 = arith.constant 0 : i32
      %parallel_loop3A_440 = arith.constant 128 : i32
      %parallel_loop3A_441 = arith.constant 1 : i32
      scf.for %parallel_loop3A_506 = %parallel_loop3A_439 to %parallel_loop3A_440 step %parallel_loop3A_441  : i32 {
        %parallel_loop3A_507 = vector.broadcast %parallel_loop3A_506 : i32 to vector<16xi32>
        %parallel_loop3A_508 = arith.addi %broadcast_in_dim3A_37, %parallel_loop3A_507 : vector<16xi32>
        %parallel_loop3A_509 = arith.index_cast %parallel_loop3A_506 : i32 to index
        %parallel_loop3A_510 = arith.constant 0 : index
        %parallel_loop3A_511 = tpu.vector_load %arg8[%parallel_loop3A_509, %parallel_loop3A_510] {strides = array<i32>} : memref<128x64xf32, #tpu.memory_space<vmem>>, vector<16xf32>,
        %parallel_loop3A_512 = arith.constant 8.000000e+00 : f32
        %parallel_loop3A_513 = vector.broadcast %parallel_loop3A_512 : f32 to vector<16xf32>
        %parallel_loop3A_514 = arith.mulf %parallel_loop3A_511, %parallel_loop3A_513 : vector<16xf32>
        tpu.vector_store_idx %arg12[%select_n3A, %select_n3A_188, %parallel_loop3A_508], %parallel_loop3A_514 : memref<8x8x129xf32, #tpu.memory_space<vmem>>[vector<16xi32>, vector<16xi32>, vector<16xi32>], vector<16xf32>,
        %parallel_loop3A_515 = arith.index_cast %parallel_loop3A_506 : i32 to index
        %parallel_loop3A_516 = arith.constant 16 : index
        %parallel_loop3A_517 = tpu.vector_load %arg8[%parallel_loop3A_515, %parallel_loop3A_516] {strides = array<i32>} : memref<128x64xf32, #tpu.memory_space<vmem>>, vector<16xf32>,
        %parallel_loop3A_518 = arith.constant 8.000000e+00 : f32
        %parallel_loop3A_519 = vector.broadcast %parallel_loop3A_518 : f32 to vector<16xf32>
        %parallel_loop3A_520 = arith.mulf %parallel_loop3A_517, %parallel_loop3A_519 : vector<16xf32>
        tpu.vector_store_idx %arg12[%select_n3A_97, %select_n3A_213, %parallel_loop3A_508], %parallel_loop3A_520 : memref<8x8x129xf32, #tpu.memory_space<vmem>>[vector<16xi32>, vector<16xi32>, vector<16xi32>], vector<16xf32>,
        %parallel_loop3A_521 = arith.index_cast %parallel_loop3A_506 : i32 to index
        %parallel_loop3A_522 = arith.constant 32 : index
        %parallel_loop3A_523 = tpu.vector_load %arg8[%parallel_loop3A_521, %parallel_loop3A_522] {strides = array<i32>} : memref<128x64xf32, #tpu.memory_space<vmem>>, vector<16xf32>,
        %parallel_loop3A_524 = arith.constant 8.000000e+00 : f32
        %parallel_loop3A_525 = vector.broadcast %parallel_loop3A_524 : f32 to vector<16xf32>
        %parallel_loop3A_526 = arith.mulf %parallel_loop3A_523, %parallel_loop3A_525 : vector<16xf32>
        tpu.vector_store_idx %arg12[%select_n3A_131, %select_n3A_238, %parallel_loop3A_508], %parallel_loop3A_526 : memref<8x8x129xf32, #tpu.memory_space<vmem>>[vector<16xi32>, vector<16xi32>, vector<16xi32>], vector<16xf32>,
        %parallel_loop3A_527 = arith.index_cast %parallel_loop3A_506 : i32 to index
        %parallel_loop3A_528 = arith.constant 48 : index
        %parallel_loop3A_529 = tpu.vector_load %arg8[%parallel_loop3A_527, %parallel_loop3A_528] {strides = array<i32>} : memref<128x64xf32, #tpu.memory_space<vmem>>, vector<16xf32>,
        %parallel_loop3A_530 = arith.constant 8.000000e+00 : f32
        %parallel_loop3A_531 = vector.broadcast %parallel_loop3A_530 : f32 to vector<16xf32>
        %parallel_loop3A_532 = arith.mulf %parallel_loop3A_529, %parallel_loop3A_531 : vector<16xf32>
        tpu.vector_store_idx %arg12[%select_n3A_165, %select_n3A_263, %parallel_loop3A_508], %parallel_loop3A_532 : memref<8x8x129xf32, #tpu.memory_space<vmem>>[vector<16xi32>, vector<16xi32>, vector<16xi32>], vector<16xf32>,
      } {sc.loop_unroll_factor = 4 : i64, sc.parallel_access}
      %lt3A_442 = arith.constant 49 : i32
      %lt3A_443 = arith.cmpi slt, %scan3A_345, %lt3A_442 : i32
      %convert_element_type3A_444 = arith.extui %lt3A_443 : i1 to i32
      %cond3A_445 = arith.constant 0 : i32
      %cond3A_446 = arith.cmpi ne, %convert_element_type3A_444, %cond3A_445 : i32
      scf.if %cond3A_446 {
        %add3A_506 = arith.constant 4 : i32
        %add3A_507 = arith.addi %add3A_427, %add3A_506 : i32
        %dma_start3A_508 = arith.constant 0 : i32
        %dma_start3A_509 = tpu.memref_slice %arg5[%add3A_507, %dma_start3A_508] : memref<200x128xi32, #tpu.memory_space<vmem>> -> memref<1x128xi32, #tpu.memory_space<vmem>>
        %dma_start3A_510 = tpu.memref_squeeze %dma_start3A_509 : memref<1x128xi32, #tpu.memory_space<vmem>> -> memref<128xi32, #tpu.memory_space<vmem>>
        %dma_start3A_511 = arith.constant 0 : i32
        %dma_start3A_512 = arith.constant 0 : i32
        %dma_start3A_513 = tpu.memref_slice %arg3[%dma_start3A_511, %dma_start3A_512] : memref<1000000x64xf32, #tpu.memory_space<hbm>> -> memref<1000000x64xf32, #tpu.memory_space<hbm>>
        tpu.enqueue_indirect_dma source(%dma_start3A_513 : memref<1000000x64xf32, #tpu.memory_space<hbm>>) target(%arg8 : memref<128x64xf32, #tpu.memory_space<vmem>>) offsets(%dma_start3A_510 : memref<128xi32, #tpu.memory_space<vmem>>) semaphore(%arg17 : memref<!tpu.dma_semaphore, #tpu.memory_space<semaphore_mem>>)
      } else {
      }
      %dma_start3A_447 = arith.constant 0 : i32
      %dma_start3A_448 = arith.constant 0 : i32
      %dma_start3A_449 = arith.constant 0 : i32
      %dma_start3A_450 = tpu.memref_slice %arg12[%dma_start3A_447, %dma_start3A_448, %dma_start3A_449] : memref<8x8x129xf32, #tpu.memory_space<vmem>> -> memref<8x8x128xf32, #tpu.memory_space<vmem>>
      %dma_start3A_451 = arith.constant 0 : i32
      %dma_start3A_452 = arith.constant 0 : i32
      %dma_start3A_453 = arith.constant 0 : i32
      %dma_start3A_454 = tpu.memref_slice %arg4[%add3A_427, %dma_start3A_451, %add3A, %dma_start3A_452, %dma_start3A_453] : memref<200x8x32x8x128xf32, #tpu.memory_space<hbm>> -> memref<1x8x1x8x128xf32, #tpu.memory_space<hbm>>
      %dma_start3A_455 = tpu.memref_squeeze %dma_start3A_454 : memref<1x8x1x8x128xf32, #tpu.memory_space<hbm>> -> memref<8x8x128xf32, #tpu.memory_space<hbm>>
      %dma_start3A_456 = arith.constant 0 : i32
      %dma_start3A_457 = arith.constant 0 : i32
      %dma_start3A_458 = arith.constant 0 : i32
      %dma_start3A_459 = tpu.memref_slice %arg4[%add3A_427, %dma_start3A_456, %add3A, %dma_start3A_457, %dma_start3A_458] : memref<200x8x32x8x128xf32, #tpu.memory_space<hbm>> -> memref<1x8x1x8x128xf32, #tpu.memory_space<hbm>>
      %dma_start3A_460 = tpu.memref_squeeze %dma_start3A_459 : memref<1x8x1x8x128xf32, #tpu.memory_space<hbm>> -> memref<8x8x128xf32, #tpu.memory_space<hbm>>
      %dma_start3A_461 = arith.constant 0 : i32
      %dma_start3A_462 = arith.constant 0 : i32
      %dma_start3A_463 = arith.constant 0 : i32
      %dma_start3A_464 = tpu.memref_slice %arg12[%dma_start3A_461, %dma_start3A_462, %dma_start3A_463] : memref<8x8x129xf32, #tpu.memory_space<vmem>> -> memref<8x8x128xf32, #tpu.memory_space<vmem>>
      tpu.enqueue_dma source(%dma_start3A_464 : memref<8x8x128xf32, #tpu.memory_space<vmem>>) target(%dma_start3A_460 : memref<8x8x128xf32, #tpu.memory_space<hbm>>) target_semaphore(%arg21 : memref<!tpu.dma_semaphore, #tpu.memory_space<semaphore_mem>>)
      %mul3A_465 = arith.constant 4 : i32
      %mul3A_466 = arith.muli %scan3A_345, %mul3A_465 : i32
      %add3A_467 = arith.constant 3 : i32
      %add3A_468 = arith.addi %mul3A_466, %add3A_467 : i32
      %dma_wait3A_469 = arith.constant 0 : i32
      %dma_wait3A_470 = tpu.memref_slice %arg5[%add3A_468, %dma_wait3A_469] : memref<200x128xi32, #tpu.memory_space<vmem>> -> memref<1x128xi32, #tpu.memory_space<vmem>>
      %dma_wait3A_471 = tpu.memref_squeeze %dma_wait3A_470 : memref<1x128xi32, #tpu.memory_space<vmem>> -> memref<128xi32, #tpu.memory_space<vmem>>
      %dma_wait3A_472 = arith.constant 0 : i32
      %dma_wait3A_473 = arith.constant 0 : i32
      %dma_wait3A_474 = tpu.memref_slice %arg3[%dma_wait3A_472, %dma_wait3A_473] : memref<1000000x64xf32, #tpu.memory_space<hbm>> -> memref<1000000x64xf32, #tpu.memory_space<hbm>>
      tpu.wait_indirect_dma semaphore(%arg18 : memref<!tpu.dma_semaphore, #tpu.memory_space<semaphore_mem>>) src(%dma_wait3A_474 : memref<1000000x64xf32, #tpu.memory_space<hbm>>) dst(%arg9 : memref<128x64xf32, #tpu.memory_space<vmem>>)
      %gt3A_475 = arith.constant 0 : i32
      %gt3A_476 = arith.cmpi sgt, %scan3A_345, %gt3A_475 : i32
      %convert_element_type3A_477 = arith.extui %gt3A_476 : i1 to i32
      %cond3A_478 = arith.constant 0 : i32
      %cond3A_479 = arith.cmpi ne, %convert_element_type3A_477, %cond3A_478 : i32
      scf.if %cond3A_479 {
        %dma_wait3A_506 = arith.constant 0 : i32
        %dma_wait3A_507 = arith.constant 0 : i32
        %dma_wait3A_508 = arith.constant 0 : i32
        %dma_wait3A_509 = tpu.memref_slice %arg13[%dma_wait3A_506, %dma_wait3A_507, %dma_wait3A_508] : memref<8x8x129xf32, #tpu.memory_space<vmem>> -> memref<8x8x128xf32, #tpu.memory_space<vmem>>
        %dma_wait3A_510 = arith.constant 0 : i32
        %dma_wait3A_511 = arith.constant 0 : i32
        %dma_wait3A_512 = arith.constant 0 : i32
        %dma_wait3A_513 = tpu.memref_slice %arg4[%add3A_468, %dma_wait3A_510, %add3A, %dma_wait3A_511, %dma_wait3A_512] : memref<200x8x32x8x128xf32, #tpu.memory_space<hbm>> -> memref<1x8x1x8x128xf32, #tpu.memory_space<hbm>>
        %dma_wait3A_514 = tpu.memref_squeeze %dma_wait3A_513 : memref<1x8x1x8x128xf32, #tpu.memory_space<hbm>> -> memref<8x8x128xf32, #tpu.memory_space<hbm>>
        %dma_wait3A_515 = arith.constant 0 : i32
        %dma_wait3A_516 = arith.constant 0 : i32
        %dma_wait3A_517 = arith.constant 0 : i32
        %dma_wait3A_518 = tpu.memref_slice %arg4[%add3A_468, %dma_wait3A_515, %add3A, %dma_wait3A_516, %dma_wait3A_517] : memref<200x8x32x8x128xf32, #tpu.memory_space<hbm>> -> memref<1x8x1x8x128xf32, #tpu.memory_space<hbm>>
        %dma_wait3A_519 = tpu.memref_squeeze %dma_wait3A_518 : memref<1x8x1x8x128xf32, #tpu.memory_space<hbm>> -> memref<8x8x128xf32, #tpu.memory_space<hbm>>
        %dma_wait3A_520 = arith.constant 0 : i32
        %dma_wait3A_521 = arith.constant 0 : i32
        %dma_wait3A_522 = arith.constant 0 : i32
        %dma_wait3A_523 = tpu.memref_slice %arg13[%dma_wait3A_520, %dma_wait3A_521, %dma_wait3A_522] : memref<8x8x129xf32, #tpu.memory_space<vmem>> -> memref<8x8x128xf32, #tpu.memory_space<vmem>>
        tpu.wait_dma2 semaphore(%arg22 : memref<!tpu.dma_semaphore, #tpu.memory_space<semaphore_mem>>) src(%dma_wait3A_523 : memref<8x8x128xf32, #tpu.memory_space<vmem>>) dst(%dma_wait3A_519 : memref<8x8x128xf32, #tpu.memory_space<hbm>>)
      } else {
      }
      %parallel_loop3A_480 = arith.constant 0 : i32
      %parallel_loop3A_481 = arith.constant 128 : i32
      %parallel_loop3A_482 = arith.constant 1 : i32
      scf.for %parallel_loop3A_506 = %parallel_loop3A_480 to %parallel_loop3A_481 step %parallel_loop3A_482  : i32 {
        %parallel_loop3A_507 = vector.broadcast %parallel_loop3A_506 : i32 to vector<16xi32>
        %parallel_loop3A_508 = arith.addi %broadcast_in_dim3A_37, %parallel_loop3A_507 : vector<16xi32>
        %parallel_loop3A_509 = arith.index_cast %parallel_loop3A_506 : i32 to index
        %parallel_loop3A_510 = arith.constant 0 : index
        %parallel_loop3A_511 = tpu.vector_load %arg9[%parallel_loop3A_509, %parallel_loop3A_510] {strides = array<i32>} : memref<128x64xf32, #tpu.memory_space<vmem>>, vector<16xf32>,
        %parallel_loop3A_512 = arith.constant 8.000000e+00 : f32
        %parallel_loop3A_513 = vector.broadcast %parallel_loop3A_512 : f32 to vector<16xf32>
        %parallel_loop3A_514 = arith.mulf %parallel_loop3A_511, %parallel_loop3A_513 : vector<16xf32>
        tpu.vector_store_idx %arg13[%select_n3A, %select_n3A_188, %parallel_loop3A_508], %parallel_loop3A_514 : memref<8x8x129xf32, #tpu.memory_space<vmem>>[vector<16xi32>, vector<16xi32>, vector<16xi32>], vector<16xf32>,
        %parallel_loop3A_515 = arith.index_cast %parallel_loop3A_506 : i32 to index
        %parallel_loop3A_516 = arith.constant 16 : index
        %parallel_loop3A_517 = tpu.vector_load %arg9[%parallel_loop3A_515, %parallel_loop3A_516] {strides = array<i32>} : memref<128x64xf32, #tpu.memory_space<vmem>>, vector<16xf32>,
        %parallel_loop3A_518 = arith.constant 8.000000e+00 : f32
        %parallel_loop3A_519 = vector.broadcast %parallel_loop3A_518 : f32 to vector<16xf32>
        %parallel_loop3A_520 = arith.mulf %parallel_loop3A_517, %parallel_loop3A_519 : vector<16xf32>
        tpu.vector_store_idx %arg13[%select_n3A_97, %select_n3A_213, %parallel_loop3A_508], %parallel_loop3A_520 : memref<8x8x129xf32, #tpu.memory_space<vmem>>[vector<16xi32>, vector<16xi32>, vector<16xi32>], vector<16xf32>,
        %parallel_loop3A_521 = arith.index_cast %parallel_loop3A_506 : i32 to index
        %parallel_loop3A_522 = arith.constant 32 : index
        %parallel_loop3A_523 = tpu.vector_load %arg9[%parallel_loop3A_521, %parallel_loop3A_522] {strides = array<i32>} : memref<128x64xf32, #tpu.memory_space<vmem>>, vector<16xf32>,
        %parallel_loop3A_524 = arith.constant 8.000000e+00 : f32
        %parallel_loop3A_525 = vector.broadcast %parallel_loop3A_524 : f32 to vector<16xf32>
        %parallel_loop3A_526 = arith.mulf %parallel_loop3A_523, %parallel_loop3A_525 : vector<16xf32>
        tpu.vector_store_idx %arg13[%select_n3A_131, %select_n3A_238, %parallel_loop3A_508], %parallel_loop3A_526 : memref<8x8x129xf32, #tpu.memory_space<vmem>>[vector<16xi32>, vector<16xi32>, vector<16xi32>], vector<16xf32>,
        %parallel_loop3A_527 = arith.index_cast %parallel_loop3A_506 : i32 to index
        %parallel_loop3A_528 = arith.constant 48 : index
        %parallel_loop3A_529 = tpu.vector_load %arg9[%parallel_loop3A_527, %parallel_loop3A_528] {strides = array<i32>} : memref<128x64xf32, #tpu.memory_space<vmem>>, vector<16xf32>,
        %parallel_loop3A_530 = arith.constant 8.000000e+00 : f32
        %parallel_loop3A_531 = vector.broadcast %parallel_loop3A_530 : f32 to vector<16xf32>
        %parallel_loop3A_532 = arith.mulf %parallel_loop3A_529, %parallel_loop3A_531 : vector<16xf32>
        tpu.vector_store_idx %arg13[%select_n3A_165, %select_n3A_263, %parallel_loop3A_508], %parallel_loop3A_532 : memref<8x8x129xf32, #tpu.memory_space<vmem>>[vector<16xi32>, vector<16xi32>, vector<16xi32>], vector<16xf32>,
      } {sc.loop_unroll_factor = 4 : i64, sc.parallel_access}
      %lt3A_483 = arith.constant 49 : i32
      %lt3A_484 = arith.cmpi slt, %scan3A_345, %lt3A_483 : i32
      %convert_element_type3A_485 = arith.extui %lt3A_484 : i1 to i32
      %cond3A_486 = arith.constant 0 : i32
      %cond3A_487 = arith.cmpi ne, %convert_element_type3A_485, %cond3A_486 : i32
      scf.if %cond3A_487 {
        %add3A_506 = arith.constant 4 : i32
        %add3A_507 = arith.addi %add3A_468, %add3A_506 : i32
        %dma_start3A_508 = arith.constant 0 : i32
        %dma_start3A_509 = tpu.memref_slice %arg5[%add3A_507, %dma_start3A_508] : memref<200x128xi32, #tpu.memory_space<vmem>> -> memref<1x128xi32, #tpu.memory_space<vmem>>
        %dma_start3A_510 = tpu.memref_squeeze %dma_start3A_509 : memref<1x128xi32, #tpu.memory_space<vmem>> -> memref<128xi32, #tpu.memory_space<vmem>>
        %dma_start3A_511 = arith.constant 0 : i32
        %dma_start3A_512 = arith.constant 0 : i32
        %dma_start3A_513 = tpu.memref_slice %arg3[%dma_start3A_511, %dma_start3A_512] : memref<1000000x64xf32, #tpu.memory_space<hbm>> -> memref<1000000x64xf32, #tpu.memory_space<hbm>>
        tpu.enqueue_indirect_dma source(%dma_start3A_513 : memref<1000000x64xf32, #tpu.memory_space<hbm>>) target(%arg9 : memref<128x64xf32, #tpu.memory_space<vmem>>) offsets(%dma_start3A_510 : memref<128xi32, #tpu.memory_space<vmem>>) semaphore(%arg18 : memref<!tpu.dma_semaphore, #tpu.memory_space<semaphore_mem>>)
      } else {
      }
      %dma_start3A_488 = arith.constant 0 : i32
      %dma_start3A_489 = arith.constant 0 : i32
      %dma_start3A_490 = arith.constant 0 : i32
      %dma_start3A_491 = tpu.memref_slice %arg13[%dma_start3A_488, %dma_start3A_489, %dma_start3A_490] : memref<8x8x129xf32, #tpu.memory_space<vmem>> -> memref<8x8x128xf32, #tpu.memory_space<vmem>>
      %dma_start3A_492 = arith.constant 0 : i32
      %dma_start3A_493 = arith.constant 0 : i32
      %dma_start3A_494 = arith.constant 0 : i32
      %dma_start3A_495 = tpu.memref_slice %arg4[%add3A_468, %dma_start3A_492, %add3A, %dma_start3A_493, %dma_start3A_494] : memref<200x8x32x8x128xf32, #tpu.memory_space<hbm>> -> memref<1x8x1x8x128xf32, #tpu.memory_space<hbm>>
      %dma_start3A_496 = tpu.memref_squeeze %dma_start3A_495 : memref<1x8x1x8x128xf32, #tpu.memory_space<hbm>> -> memref<8x8x128xf32, #tpu.memory_space<hbm>>
      %dma_start3A_497 = arith.constant 0 : i32
      %dma_start3A_498 = arith.constant 0 : i32
      %dma_start3A_499 = arith.constant 0 : i32
      %dma_start3A_500 = tpu.memref_slice %arg4[%add3A_468, %dma_start3A_497, %add3A, %dma_start3A_498, %dma_start3A_499] : memref<200x8x32x8x128xf32, #tpu.memory_space<hbm>> -> memref<1x8x1x8x128xf32, #tpu.memory_space<hbm>>
      %dma_start3A_501 = tpu.memref_squeeze %dma_start3A_500 : memref<1x8x1x8x128xf32, #tpu.memory_space<hbm>> -> memref<8x8x128xf32, #tpu.memory_space<hbm>>
      %dma_start3A_502 = arith.constant 0 : i32
      %dma_start3A_503 = arith.constant 0 : i32
      %dma_start3A_504 = arith.constant 0 : i32
      %dma_start3A_505 = tpu.memref_slice %arg13[%dma_start3A_502, %dma_start3A_503, %dma_start3A_504] : memref<8x8x129xf32, #tpu.memory_space<vmem>> -> memref<8x8x128xf32, #tpu.memory_space<vmem>>
      tpu.enqueue_dma source(%dma_start3A_505 : memref<8x8x128xf32, #tpu.memory_space<vmem>>) target(%dma_start3A_501 : memref<8x8x128xf32, #tpu.memory_space<hbm>>) target_semaphore(%arg22 : memref<!tpu.dma_semaphore, #tpu.memory_space<semaphore_mem>>)
    }
    %scan3A_268 = arith.constant 50 : i32
    %dma_wait3A_269 = arith.constant 196 : i32
    %dma_wait3A_270 = arith.constant 0 : i32
    %dma_wait3A_271 = arith.constant 0 : i32
    %dma_wait3A_272 = arith.constant 0 : i32
    %dma_wait3A_273 = tpu.memref_slice %arg10[%dma_wait3A_270, %dma_wait3A_271, %dma_wait3A_272] : memref<8x8x129xf32, #tpu.memory_space<vmem>> -> memref<8x8x128xf32, #tpu.memory_space<vmem>>
    %dma_wait3A_274 = arith.constant 0 : i32
    %dma_wait3A_275 = arith.constant 0 : i32
    %dma_wait3A_276 = arith.constant 0 : i32
    %dma_wait3A_277 = tpu.memref_slice %arg4[%dma_wait3A_269, %dma_wait3A_274, %add3A, %dma_wait3A_275, %dma_wait3A_276] : memref<200x8x32x8x128xf32, #tpu.memory_space<hbm>> -> memref<1x8x1x8x128xf32, #tpu.memory_space<hbm>>
    %dma_wait3A_278 = tpu.memref_squeeze %dma_wait3A_277 : memref<1x8x1x8x128xf32, #tpu.memory_space<hbm>> -> memref<8x8x128xf32, #tpu.memory_space<hbm>>
    %dma_wait3A_279 = arith.constant 0 : i32
    %dma_wait3A_280 = arith.constant 0 : i32
    %dma_wait3A_281 = arith.constant 0 : i32
    %dma_wait3A_282 = tpu.memref_slice %arg4[%dma_wait3A_269, %dma_wait3A_279, %add3A, %dma_wait3A_280, %dma_wait3A_281] : memref<200x8x32x8x128xf32, #tpu.memory_space<hbm>> -> memref<1x8x1x8x128xf32, #tpu.memory_space<hbm>>
    %dma_wait3A_283 = tpu.memref_squeeze %dma_wait3A_282 : memref<1x8x1x8x128xf32, #tpu.memory_space<hbm>> -> memref<8x8x128xf32, #tpu.memory_space<hbm>>
    %dma_wait3A_284 = arith.constant 0 : i32
    %dma_wait3A_285 = arith.constant 0 : i32
    %dma_wait3A_286 = arith.constant 0 : i32
    %dma_wait3A_287 = tpu.memref_slice %arg10[%dma_wait3A_284, %dma_wait3A_285, %dma_wait3A_286] : memref<8x8x129xf32, #tpu.memory_space<vmem>> -> memref<8x8x128xf32, #tpu.memory_space<vmem>>
    tpu.wait_dma2 semaphore(%arg19 : memref<!tpu.dma_semaphore, #tpu.memory_space<semaphore_mem>>) src(%dma_wait3A_287 : memref<8x8x128xf32, #tpu.memory_space<vmem>>) dst(%dma_wait3A_283 : memref<8x8x128xf32, #tpu.memory_space<hbm>>)
    %dma_wait3A_288 = arith.constant 197 : i32
    %dma_wait3A_289 = arith.constant 0 : i32
    %dma_wait3A_290 = arith.constant 0 : i32
    %dma_wait3A_291 = arith.constant 0 : i32
    %dma_wait3A_292 = tpu.memref_slice %arg11[%dma_wait3A_289, %dma_wait3A_290, %dma_wait3A_291] : memref<8x8x129xf32, #tpu.memory_space<vmem>> -> memref<8x8x128xf32, #tpu.memory_space<vmem>>
    %dma_wait3A_293 = arith.constant 0 : i32
    %dma_wait3A_294 = arith.constant 0 : i32
    %dma_wait3A_295 = arith.constant 0 : i32
    %dma_wait3A_296 = tpu.memref_slice %arg4[%dma_wait3A_288, %dma_wait3A_293, %add3A, %dma_wait3A_294, %dma_wait3A_295] : memref<200x8x32x8x128xf32, #tpu.memory_space<hbm>> -> memref<1x8x1x8x128xf32, #tpu.memory_space<hbm>>
    %dma_wait3A_297 = tpu.memref_squeeze %dma_wait3A_296 : memref<1x8x1x8x128xf32, #tpu.memory_space<hbm>> -> memref<8x8x128xf32, #tpu.memory_space<hbm>>
    %dma_wait3A_298 = arith.constant 0 : i32
    %dma_wait3A_299 = arith.constant 0 : i32
    %dma_wait3A_300 = arith.constant 0 : i32
    %dma_wait3A_301 = tpu.memref_slice %arg4[%dma_wait3A_288, %dma_wait3A_298, %add3A, %dma_wait3A_299, %dma_wait3A_300] : memref<200x8x32x8x128xf32, #tpu.memory_space<hbm>> -> memref<1x8x1x8x128xf32, #tpu.memory_space<hbm>>
    %dma_wait3A_302 = tpu.memref_squeeze %dma_wait3A_301 : memref<1x8x1x8x128xf32, #tpu.memory_space<hbm>> -> memref<8x8x128xf32, #tpu.memory_space<hbm>>
    %dma_wait3A_303 = arith.constant 0 : i32
    %dma_wait3A_304 = arith.constant 0 : i32
    %dma_wait3A_305 = arith.constant 0 : i32
    %dma_wait3A_306 = tpu.memref_slice %arg11[%dma_wait3A_303, %dma_wait3A_304, %dma_wait3A_305] : memref<8x8x129xf32, #tpu.memory_space<vmem>> -> memref<8x8x128xf32, #tpu.memory_space<vmem>>
    tpu.wait_dma2 semaphore(%arg20 : memref<!tpu.dma_semaphore, #tpu.memory_space<semaphore_mem>>) src(%dma_wait3A_306 : memref<8x8x128xf32, #tpu.memory_space<vmem>>) dst(%dma_wait3A_302 : memref<8x8x128xf32, #tpu.memory_space<hbm>>)
    %dma_wait3A_307 = arith.constant 198 : i32
    %dma_wait3A_308 = arith.constant 0 : i32
    %dma_wait3A_309 = arith.constant 0 : i32
    %dma_wait3A_310 = arith.constant 0 : i32
    %dma_wait3A_311 = tpu.memref_slice %arg12[%dma_wait3A_308, %dma_wait3A_309, %dma_wait3A_310] : memref<8x8x129xf32, #tpu.memory_space<vmem>> -> memref<8x8x128xf32, #tpu.memory_space<vmem>>
    %dma_wait3A_312 = arith.constant 0 : i32
    %dma_wait3A_313 = arith.constant 0 : i32
    %dma_wait3A_314 = arith.constant 0 : i32
    %dma_wait3A_315 = tpu.memref_slice %arg4[%dma_wait3A_307, %dma_wait3A_312, %add3A, %dma_wait3A_313, %dma_wait3A_314] : memref<200x8x32x8x128xf32, #tpu.memory_space<hbm>> -> memref<1x8x1x8x128xf32, #tpu.memory_space<hbm>>
    %dma_wait3A_316 = tpu.memref_squeeze %dma_wait3A_315 : memref<1x8x1x8x128xf32, #tpu.memory_space<hbm>> -> memref<8x8x128xf32, #tpu.memory_space<hbm>>
    %dma_wait3A_317 = arith.constant 0 : i32
    %dma_wait3A_318 = arith.constant 0 : i32
    %dma_wait3A_319 = arith.constant 0 : i32
    %dma_wait3A_320 = tpu.memref_slice %arg4[%dma_wait3A_307, %dma_wait3A_317, %add3A, %dma_wait3A_318, %dma_wait3A_319] : memref<200x8x32x8x128xf32, #tpu.memory_space<hbm>> -> memref<1x8x1x8x128xf32, #tpu.memory_space<hbm>>
    %dma_wait3A_321 = tpu.memref_squeeze %dma_wait3A_320 : memref<1x8x1x8x128xf32, #tpu.memory_space<hbm>> -> memref<8x8x128xf32, #tpu.memory_space<hbm>>
    %dma_wait3A_322 = arith.constant 0 : i32
    %dma_wait3A_323 = arith.constant 0 : i32
    %dma_wait3A_324 = arith.constant 0 : i32
    %dma_wait3A_325 = tpu.memref_slice %arg12[%dma_wait3A_322, %dma_wait3A_323, %dma_wait3A_324] : memref<8x8x129xf32, #tpu.memory_space<vmem>> -> memref<8x8x128xf32, #tpu.memory_space<vmem>>
    tpu.wait_dma2 semaphore(%arg21 : memref<!tpu.dma_semaphore, #tpu.memory_space<semaphore_mem>>) src(%dma_wait3A_325 : memref<8x8x128xf32, #tpu.memory_space<vmem>>) dst(%dma_wait3A_321 : memref<8x8x128xf32, #tpu.memory_space<hbm>>)
    %dma_wait3A_326 = arith.constant 199 : i32
    %dma_wait3A_327 = arith.constant 0 : i32
    %dma_wait3A_328 = arith.constant 0 : i32
    %dma_wait3A_329 = arith.constant 0 : i32
    %dma_wait3A_330 = tpu.memref_slice %arg13[%dma_wait3A_327, %dma_wait3A_328, %dma_wait3A_329] : memref<8x8x129xf32, #tpu.memory_space<vmem>> -> memref<8x8x128xf32, #tpu.memory_space<vmem>>
    %dma_wait3A_331 = arith.constant 0 : i32
    %dma_wait3A_332 = arith.constant 0 : i32
    %dma_wait3A_333 = arith.constant 0 : i32
    %dma_wait3A_334 = tpu.memref_slice %arg4[%dma_wait3A_326, %dma_wait3A_331, %add3A, %dma_wait3A_332, %dma_wait3A_333] : memref<200x8x32x8x128xf32, #tpu.memory_space<hbm>> -> memref<1x8x1x8x128xf32, #tpu.memory_space<hbm>>
    %dma_wait3A_335 = tpu.memref_squeeze %dma_wait3A_334 : memref<1x8x1x8x128xf32, #tpu.memory_space<hbm>> -> memref<8x8x128xf32, #tpu.memory_space<hbm>>
    %dma_wait3A_336 = arith.constant 0 : i32
    %dma_wait3A_337 = arith.constant 0 : i32
    %dma_wait3A_338 = arith.constant 0 : i32
    %dma_wait3A_339 = tpu.memref_slice %arg4[%dma_wait3A_326, %dma_wait3A_336, %add3A, %dma_wait3A_337, %dma_wait3A_338] : memref<200x8x32x8x128xf32, #tpu.memory_space<hbm>> -> memref<1x8x1x8x128xf32, #tpu.memory_space<hbm>>
    %dma_wait3A_340 = tpu.memref_squeeze %dma_wait3A_339 : memref<1x8x1x8x128xf32, #tpu.memory_space<hbm>> -> memref<8x8x128xf32, #tpu.memory_space<hbm>>
    %dma_wait3A_341 = arith.constant 0 : i32
    %dma_wait3A_342 = arith.constant 0 : i32
    %dma_wait3A_343 = arith.constant 0 : i32
    %dma_wait3A_344 = tpu.memref_slice %arg13[%dma_wait3A_341, %dma_wait3A_342, %dma_wait3A_343] : memref<8x8x129xf32, #tpu.memory_space<vmem>> -> memref<8x8x128xf32, #tpu.memory_space<vmem>>
    tpu.wait_dma2 semaphore(%arg22 : memref<!tpu.dma_semaphore, #tpu.memory_space<semaphore_mem>>) src(%dma_wait3A_344 : memref<8x8x128xf32, #tpu.memory_space<vmem>>) dst(%dma_wait3A_340 : memref<8x8x128xf32, #tpu.memory_space<hbm>>)
    return
  }
}

</mosaic_0001>

<sc_bundles>
// kernel: kernel.3.cloned.1.call-start
scs
__scs_entry_jumppad:
0x0: {  	(pc) =	sbr.rel $0x88, $3  }
0x1: {  	(tag) =	ssettag $0x0;
	lr =	simm.s32 $0x1  }
0x2: {  	[smem:$0x3F9F] =	sst lr;
	_ =	strace $0xD0000000  }
0x3: {  	_ = 	snop  }
0x4: {  	_ = 	snop  }
0x5: {  	_ = 	snop  }
0x6: {  	_ = 	snop  }
0x7: {  	_ = 	snop  }
__scs_overlays_trampoline_lowered:
0x8: {  	[smem:$0x3FAE] =	sst s0  }
0x9: {  	[smem:$0x3FAF] =	sst s1  }
0xa: {  	[smem:$0x3FB0] =	sst s2  }
0xb: {  	[smem:$0x3FB1] =	sst s3  }
0xc: {  	[smem:$0x3FB2] =	sst s4  }
0xd: {  	[smem:$0x3FB3] =	sst s5  }
0xe: {  	[smem:$0x3FB4] =	sst s6  }
0xf: {  	[smem:$0x3FB5] =	sst s7  }
0x10: {  	[smem:$0x3FB6] =	sst s8  }
0x11: {  	[smem:$0x3FB7] =	sst s9;
	s0 =	simm.s32 @!p0 $0x0  }
0x12: {  	s1 =	sld [smem:$0x3F9D];
	s0 =	simm.s32 @p0 $0x1  }
0x13: {  	[smem:$0x3FB8] =	sst s0;
	s0 =	simm.s32 @!p1 $0x0  }
0x14: {  	s2 =	sld [smem:$0x3F9C];
	s0 =	simm.s32 @p1 $0x1  }
0x15: {  	[smem:$0x3FB9] =	sst s0;
	s0 =	simm.s32 @!p2 $0x0  }
0x16: {  	s3 =	sld [smem:$0x3FDB];
	s0 =	simm.s32 @p2 $0x1  }
0x17: {  	s4 =	simm.s32 $0x1BF5;
	[smem:$0x3FBB] =	sst s0  }
0x18: {  	s0 =	sld [smem:$0x3F9E];
	_ =	swait.ge [sflag:s4], $0x0  }
0x19: {  	s7 =	sld [smem:$0x3F9F]  }
0x1a: {  	s8 =	sadd.s32 $0xFFFFE003, lr  }
0x1b: {  	s9 =	sadd.s32 $0xFFFFFEF7, lr;
	s5 =	simm.s32 $0xFFFFFFFF;
	p2 =	slt.u32 s8, $0xFFFFF086  }
0x1c: {  	p1 =	slt.u32 s9, $0xF7A;
	s5 =	simm.s32 @!p2 $0x0  }
0x1d: {  	s5 =	simm.s32 @p1 $0x1;
	p0 =	seq.s32 s7, s2  }
0x1e: {  	s7 =	smul.u32 @!p0 $0xF7A, s2;
	p2 =	seq.s32 @!p0 s5, $0x0  }
0x1f: {  	s9 =	smul.u32 $0xF7A, s1;
	s8 =	simm.s32 @!p0 $0x1BF5;
	p2 =	por !p2, p0  }
0x20: {  	[sflag:s8] =	ssyncset.s32 @!p0 $0xFFFFF086;
	s6 =	sadd.s32 @!p0 s3, s7;
	s7 =	simm.s32 @!p0 $0x108  }
0x21: {  	s3 =	sadd.s32 s3, s9;
	s6 =	sadd.s32 @!p0 $0x88, s6;
	s7 =	simm.s32 @p2 $0x1082  }
0x22: {  	[simem:s7], [sflag:s8] =	dma.local @!p0 [hbm:s6], $0xF7A  }
0x23: {  	s9 =	sor.u32 $0xD0000000, s2;
	s6 =	simm.s32 $0x108;
	_ =	swait.ge @!p0 [sflag:s8], $0x0  }
0x24: {  	s3 =	sadd.s32 $0x88, s3;
	s6 =	simm.s32 @!p1 $0x1082;
	[sflag:s4] =	ssyncset.s32 $0xFFFFF086  }
0x25: {  	[simem:s6], [sflag:s4] =	dma.local [hbm:s3], $0xF7A  }
0x26: {  	[smem:$0x3F9F] =	sst s1;
	(tag) =	ssettag s2;
	_ =	strace s9  }
0x27: {  	s1 =	sld [smem:$0x3FAF]  }
0x28: {  	s2 =	sld [smem:$0x3FB0]  }
0x29: {  	s4 =	sld [smem:$0x3FB2]  }
0x2a: {  	p0 =	seq.s32 s5, $0x0;
	s5 =	sld [smem:$0x3FB3]  }
0x2b: {  	s6 =	sld [smem:$0x3FB4]  }
0x2c: {  	s7 =	sld [smem:$0x3FB5]  }
0x2d: {  	s3 =	simm.s32 $0x108;
	s8 =	sld [smem:$0x3FB6]  }
0x2e: {  	s3 =	simm.s32 @!p0 $0x1082;
	s9 =	sld [smem:$0x3FB7]  }
0x2f: {  	lr =	sadd.s32 s0, s3;
	s0 =	sld [smem:$0x3FAE]  }
0x30: {  	s3 =	sld [smem:$0x3FB1]  }
0x31: {  	[smem:$0x3FBA] =	sst s10  }
0x32: {  	s10 =	sld [smem:$0x3FB8];
	_ =	sdelay $0x3  }
0x33: {  	p0 =	seq.s32 s10, $0x1;
	s10 =	sld [smem:$0x3FBA];
	_ =	sdelay $0x3  }
0x34: {  	[smem:$0x3FBA] =	sst s10  }
0x35: {  	s10 =	sld [smem:$0x3FB9];
	_ =	sdelay $0x3  }
0x36: {  	p1 =	seq.s32 s10, $0x1;
	s10 =	sld [smem:$0x3FBA];
	_ =	sdelay $0x3  }
0x37: {  	[smem:$0x3FBA] =	sst s10  }
0x38: {  	s10 =	sld [smem:$0x3FBB]  }
0x39: {  	_ = 	snop;
	(pc) =	sbr.ind lr, $3  }
0x3a: {  	_ = 	snop  }
0x3b: {  	_ = 	snop  }
0x3c: {  	p2 =	seq.s32 s10, $0x1;
	s10 =	sld [smem:$0x3FBA]  }
0x3d: {  	_ =	shalt  }
0x3e: {  	_ =	shalt  }
0x3f: {  	_ =	shalt  }
0x40: {  	_ =	shalt  }
0x41: {  	_ =	shalt  }
0x42: {  	_ =	shalt  }
0x43: {  	_ =	shalt  }
0x44: {  	_ =	shalt  }
0x45: {  	_ =	shalt  }
0x46: {  	_ =	shalt  }
0x47: {  	_ =	shalt  }
0x48: {  	_ =	shalt  }
0x49: {  	_ =	shalt  }
0x4a: {  	_ =	shalt  }
0x4b: {  	_ =	shalt  }
0x4c: {  	_ =	shalt  }
0x4d: {  	_ =	shalt  }
0x4e: {  	_ =	shalt  }
0x4f: {  	_ =	shalt  }
0x50: {  	_ =	shalt  }
0x51: {  	_ =	shalt  }
0x52: {  	_ =	shalt  }
0x53: {  	_ =	shalt  }
0x54: {  	_ =	shalt  }
0x55: {  	_ =	shalt  }
0x56: {  	_ =	shalt  }
0x57: {  	_ =	shalt  }
0x58: {  	_ =	shalt  }
0x59: {  	_ =	shalt  }
0x5a: {  	_ =	shalt  }
0x5b: {  	_ =	shalt  }
0x5c: {  	_ =	shalt  }
0x5d: {  	_ =	shalt  }
0x5e: {  	_ =	shalt  }
0x5f: {  	_ =	shalt  }
0x60: {  	_ =	shalt  }
0x61: {  	_ =	shalt  }
0x62: {  	_ =	shalt  }
0x63: {  	_ =	shalt  }
0x64: {  	_ =	shalt  }
0x65: {  	_ =	shalt  }
0x66: {  	_ =	shalt  }
0x67: {  	_ =	shalt  }
0x68: {  	_ =	shalt  }
0x69: {  	_ =	shalt  }
0x6a: {  	_ =	shalt  }
0x6b: {  	_ =	shalt  }
0x6c: {  	_ =	shalt  }
0x6d: {  	_ =	shalt  }
0x6e: {  	_ =	shalt  }
0x6f: {  	_ =	shalt  }
0x70: {  	_ =	shalt  }
0x71: {  	_ =	shalt  }
0x72: {  	_ =	shalt  }
0x73: {  	_ =	shalt  }
0x74: {  	_ =	shalt  }
0x75: {  	_ =	shalt  }
0x76: {  	_ =	shalt  }
0x77: {  	_ =	shalt  }
0x78: {  	_ =	shalt  }
0x79: {  	_ =	shalt  }
0x7a: {  	_ =	shalt  }
0x7b: {  	_ =	shalt  }
0x7c: {  	_ =	shalt  }
0x7d: {  	_ =	shalt  }
0x7e: {  	_ =	shalt  }
0x7f: {  	_ =	shalt  }
0x80: {  	_ =	shalt  }
0x81: {  	_ =	shalt  }
0x82: {  	_ =	shalt  }
0x83: {  	_ =	shalt  }
0x84: {  	_ =	shalt  }
0x85: {  	_ =	shalt  }
0x86: {  	_ =	shalt  }
0x87: {  	_ =	shalt  }
.Lfunc_end0:
.L_simem_size_0:
called_computation_lowered:
.L_overlay_start_0:
0x88: {  	s2 =	sld [smem:$0x3FD9]  }
0x89: {  	s3 =	sld [smem:$0x3FFE];
	_ =	sdelay $0x1  }
0x8a: {  	s1 =	srdreg.scid  }
0x8b: {  	s0 =	sand.u32 $0x1, s1  }
0x8c: {  	s17 =	sshll.u32 s0, $0xA;
	s2 =	sadd.s32 s3, s2  }
0x8d: {  	s2 =	sadd.s32 s2, s17  }
0x8e: {  	[smem:$0x3FC6] =	sst s2  }
0x8f: {  	_ = 	snop  }
0x90: {  	s2 =	sld [smem:$0x3FD0];
	(tm) =	ssettm $0x1  }
0x91: {  	s18 =	sld [smem:$0x3FFB];
	_ =	sdelay $0x3  }
0x92: {  	_ =	strace s18  }
0x93: {  	s3 =	sld [smem:$0x3FFC];
	_ =	sdelay $0x3  }
0x94: {  	_ =	strace s3  }
0x95: {  	s3 =	sld [smem:$0x3FFD];
	_ =	sdelay $0x3  }
0x96: {  	_ =	strace s3  }
0x97: {  	_ =	strace $0x8FFFFFFF  }
0x98: {  	s19 =	sld [smem:$0x3FDB];
	_ =	sdelay $0x1  }
0x99: {  	s4 =	simm.s32 $_scs_section_size  }
0x9a: {  	s5 =	simm.s32 $_size__tile_overlayer_lowered;
	s6 =	simm.s32 $_tile_overlayer_lowered  }
0x9b: {  	s22 =	simm.s32 $0x1BFF;
	s21 =	sshll.u32 s6, $0x1;
	s3 =	sadd.s32 s4, s19  }
0x9c: {  	s7 =	simm.s32 $0x0;
	s20 =	sshll.u32 s5, $0x1;
	s5 =	sadd.s32 s21, s3  }
0x9d: {  	[timem:s7], [sflag:s22] =	dma.local [hbm:s5], s20  }
0x9e: {  	_ =	swait.ge [sflag:s22], s20  }
0x9f: {  	s4 =	ssub.s32 $0x0, s20;
	[sflag:s22] =	ssyncset.done $0x0  }
0xa0: {  	[sflag:s22] =	ssyncadd.s32 s4;
	_ =	sdelay $0x1  }
0xa1: {  	s23 =	simm.s32 $0x1B8B  }
0xa2: {  	_ =	swait.ge [sflag:s23], $0x1  }
0xa3: {  	[sflag:s23] =	ssyncset.done $0x0  }
0xa4: {  	s25 =	simm.s32 $0x1B8E;
	s24 =	sld [smem:$0x3FFE];
	[sflag:s23] =	ssyncadd.s32 $0xFFFFFFFF  }
0xa5: {  	s26 =	simm.s32 $execute0_lowered;
	[smem:$0x3FD2] =	sst s25  }
0xa6: {  	s5 =	sshll.u32 s26, $0x1;
	_ =	strace $0x80000046;
	[dreg:$0x1] =	wrdreg $0xFFFFFFFF  }
0xa7: {  	s28 =	simm.s32 $_size_execute0_lowered;
	s3 =	sadd.s32 s3, s5;
	[dreg:$0x0] =	wrdreg $0x0  }
0xa8: {  	s5 =	sshll.u32 s28, $0x1;
	[dreg:$0x2] =	wrdreg s3  }
0xa9: {  	[dreg:$0x3] =	wrdreg s5  }
0xaa: {  	[dreg:$0x4] =	wrdreg $0xC0  }
0xab: {  	_ =	task [dreg:s7], $0x5FFFF  }
0xac: {  	[dreg:$0x1] =	wrdreg $0xFFFFFFFF  }
0xad: {  	[dreg:$0x0] =	wrdreg $0x60  }
0xae: {  	[dreg:$0x2] =	wrdreg s24  }
0xaf: {  	[dreg:$0x3] =	wrdreg s2  }
0xb0: {  	[dreg:$0x4] =	wrdreg $0x9  }
0xb1: {  	_ =	task.clear_ibuf [dreg:s7], $0x5FFFF;
	_ =	strace $0x90000046  }
0xb2: {  	s29 =	simm.s32 $0x9;
	_ =	strace $0x80000048  }
0xb3: {  	_ =	swait.ge [sflag:s29], $0x1  }
0xb4: {  	[sflag:s29] =	ssyncadd.s32 $0xFFFFFFFF  }
0xb5: {  	_ =	strace $0x90000048  }
0xb6: {  	_ =	sfence  }
0xb7: {  	s30 =	sld [smem:$0x0];
	_ =	sdelay $0x2  }
0xb8: {  	s31 =	sshll.u32 s1, $0xD;
	s1 =	sshrl.u32 s1, $0x2  }
0xb9: {  	s3 =	sand.u32 $0x4000, s31;
	s1 =	sadd.s32 s1, s30  }
0xba: {  	s0 =	sor.u32 s3, s0;
	s1 =	sshll.u32 s1, $0x11  }
0xbb: {  	s0 =	sor.u32 s1, s0  }
0xbc: {  	s0 =	sadd.s32 $0x8F2B, s0  }
0xbd: {  	[sflag:s0] =	ssyncadd.remote.s32 $0x1  }
0xbe: {  	_ =	sfence.sel $0xFFFF  }
0xbf: {  	[dreg:$0x0] =	wrdreg $0xFFFFFFFF;
	(pc) =	sbr.abs _section_cstart, $3  }
0xc0: {  	[dreg:$0x1] =	wrdreg $0xFFFFFFFF  }
0xc1: {  	_ =	task.clear_ibuf [dreg:s7], $0x2FFFF;
	_ =	strace $0x9FFFFFFF  }
0xc2: {  	(tm) =	ssettm $0x7FFFFFFF  }
0xc3: {  	_ =	shalt  }
tec
execute0_lowered:
.L_overlay_start_1:
0x0: {  	(tag) =	ssettag $0x1  }
0x1: {  	s0 =	rddreg [dreg:$0x0]  }
0x2: {  	s1 =	srdreg.scid;
	s3 =	stileid.u32  }
0x3: {  	s2 =	rddreg [dreg:$0x1];
	s11 =	simm.s32 $0x80;
	s13 =	simm.s32 $0x1  }
0x4: {  	s20 =	simm.s32 $0x2;
	s21 =	simm.s32 $0xE400;
	s22 =	simm.s32 $0x3  }
0x5: {  	s23 =	simm.s32 $0x10600;
	s24 =	simm.s32 $0x4;
	s28 =	simm.s32 $0x14A00  }
0x6: {  	s29 =	simm.s32 $0x6;
	s30 =	simm.s32 $0x7;
	s31 =	simm.s32 $0x8  }
0x7: {  	s1 =	sand.u32 $0x1, s1;
	s4 =	sshll.u32 s3, $0x1;
	s3 =	simm.s32 $0x0  }
0x8: {  	s8 =	sadd.s32 $0x10000, s2;
	s9 =	sadd.s32 $0x18000, s2;
	s5 =	sor.u32 s1, s4  }
0x9: {  	[smem:$0x7FF] =	sst s3;
	s1 =	ssub.s32 $0x2, s1;
	s4 =	sshll.u32 s5, $0x4  }
0xa: {  	_ =	strace $0x80000047;
	s7 =	sshrl.u32 s1, $0x1;
	s6 =	sadd.s32 s4, s0  }
0xb: {  	v0 =	vlaneseq.u32;
	s4 =	sadd.s32 $0xF42A00, s0;
	s25 =	ssub.s32 s1, s7;
	s7 =	sadd.s32 $0x8000, s2  }
0xc: {  	v0 =	vmul.u32 $0x88, v0;
	s1 =	simm.s32 $0x9;
	s26 =	sadd.s32 $0x600, s6;
	s6 =	sshll.u32 s5, $0x7  }
0xd: {  	s0 =	smax.u32 s25, $0x1;
	s25 =	simm.s32 $0x12800;
	[dreg:$0x3] =	wrdreg s26  }
0xe: {  	v1 =	vadd.s32 $0x880, v0;
	v2 =	vadd.s32 $0x1100, v0;
	v3 =	vadd.s32 $0x1980, v0;
	[dreg:$0x4] =	wrdreg s0;
	s26 =	simm.s32 $0x5;
	s0 =	simm.s32 $0x0  }
.LBB2_1:
0xf: {  	s5 =	rddreg [dreg:$0x3];
	s10 =	simm.s32 $0x1000  }
0x10: {  	[tilespmem:s3], [sflag:$0x1] =	stream.strided.gather [hbm4b:s5+s11], $0x6400, s10, s11, $0x38;
	[tilespmem:$0x16C00] =	vst v63  }
0x11: {  	_ =	swait.ge [sflag:s13], $0x6400  }
0x12: {  	[sflag:s13] =	ssyncset.done $0x0  }
0x13: {  	s14 =	simm.s32 $0x6400;
	[sflag:s13] =	ssyncadd.s32 $0xFFFF9C00  }
0x14: {  	[tilespmem:s14], [sflag:$0x2] =	stream.indirect.gather [hbm4b:s4+s11], $0x40, s3, s11, $0xb8;
	[tilespmem:$0x16C00] =	vst v63  }
0x15: {  	s15 =	simm.s32 $0x8400  }
0x16: {  	[tilespmem:s15], [sflag:$0x3] =	stream.indirect.gather [hbm4b:s4+s11], $0x40, s11, s11, $0xb8;
	[tilespmem:$0x16C00] =	vst v63  }
0x17: {  	s16 =	simm.s32 $0x100;
	s17 =	simm.s32 $0xA400  }
0x18: {  	[tilespmem:s17], [sflag:$0x4] =	stream.indirect.gather [hbm4b:s4+s11], $0x40, s16, s11, $0xb8;
	[tilespmem:$0x16C00] =	vst v63  }
0x19: {  	s18 =	simm.s32 $0x180;
	s19 =	simm.s32 $0xC400;
	s12 =	simm.s32 $0x0  }
0x1a: {  	[tilespmem:s19], [sflag:$0x5] =	stream.indirect.gather [hbm4b:s4+s11], $0x40, s18, s11, $0xb8;
	[tilespmem:$0x16C00] =	vst v63  }
.LBB2_2:
0x1b: {  	_ =	swait.ge [sflag:s20], $0x2000  }
0x1c: {  	p1 =	seq.s32 s12, $0x0;
	[sflag:s20] =	ssyncset.done $0x0  }
0x1d: {  	s5 =	simm.s32 @!p1 $0x6;
	[sflag:s20] =	ssyncadd.s32 $0xFFFFE000  }
0x1e: {  	_ =	swait.ge @!p1 [sflag:s5], $0x2000  }
0x1f: {  	[sflag:s5] =	ssyncset.done @!p1 $0x0  }
0x20: {  	s15 =	simm.s32 $0x6480;
	s17 =	simm.s32 $0x3;
	[sflag:s5] =	ssyncadd.s32 @!p1 $0xFFFFE000  }
0x21: {  	v4 =	vmov s17;
	v5 =	vld [tilespmem:s15+$0x40]  }
0x22: {  	v9 =	vand.u32 $0x7F, v4  }
0x23: {  	s18 =	simm.s32 $0x0;
	v4 =	vadd.s32 v0, v9  }
0x24: {  	s19 =	simm.s32 $0x1;
	s14 =	simm.s32 $0x2;
	v6 =	vmov s18;
	v7 =	vld [tilespmem:s15+$0xFFFFFF80]  }
0x25: {  	v11 =	vmov s14;
	v8 =	vand.u32 $0x7C, v6;
	v6 =	vmov s19;
	v10 =	vld [tilespmem:s15+$0xFFFFFFC0]  }
0x26: {  	v12 =	vadd.s32 v0, v8;
	v15 =	vand.u32 $0x7D, v6;
	v6 =	vld [tilespmem:s15+$0x0];
	v5 =	vmul.f32 $8.000000000e+00, v5  }
0x27: {  	v17 =	vand.u32 $0x7E, v11;
	v13 =	vadd.s32 v0, v15  }
0x28: {  	v11 =	vadd.s32 v0, v17;
	[tilespmem:v4+s21+$0x0] =	vst.idx.msk $0xffff, v5  }
0x29: {  	v4 =	vmul.f32 $8.000000000e+00, v7;
	v5 =	vld [tilespmem:s15+$0x50]  }
0x2a: {  	v7 =	vmul.f32 $8.000000000e+00, v10  }
0x2b: {  	[tilespmem:v12+s21+$0x0] =	vst.idx.msk $0xffff, v4;
	v4 =	vmul.f32 $8.000000000e+00, v6;
	v6 =	vadd.s32 v1, v9  }
0x2c: {  	[tilespmem:v13+s21+$0x0] =	vst.idx.msk $0xffff, v7;
	v10 =	vld [tilespmem:s15+$0xFFFFFF90]  }
0x2d: {  	v7 =	vld [tilespmem:s15+$0xFFFFFFD0];
	[tilespmem:v11+s21+$0x0] =	vst.idx.msk $0xffff, v4  }
0x2e: {  	v11 =	vld [tilespmem:s15+$0x10];
	v4 =	vmul.f32 $8.000000000e+00, v5  }
0x2f: {  	s10 =	simm.s32 $0x4;
	s16 =	simm.s32 $0x7;
	s14 =	simm.s32 $0x6580;
	v12 =	vadd.s32 v1, v15  }
0x30: {  	v14 =	vld [tilespmem:s14+$0x40];
	v13 =	vadd.s32 v1, v17;
	v5 =	vmov s10;
	[tilespmem:v6+s21+$0x0] =	vst.idx.msk $0xffff, v4;
	v6 =	vmov s16  }
0x31: {  	v16 =	vadd.s32 v1, v8;
	v4 =	vand.u32 $0x7C, v5;
	v5 =	vand.u32 $0x7F, v6;
	v18 =	vld [tilespmem:s15+$0x60]  }
0x32: {  	s17 =	simm.s32 $0x5;
	v22 =	vadd.s32 v2, v9;
	v19 =	vld [tilespmem:s14+$0xFFFFFF80];
	v6 =	vmul.f32 $8.000000000e+00, v7;
	v20 =	vadd.s32 v0, v5  }
0x33: {  	s18 =	simm.s32 $0x6;
	v21 =	vld [tilespmem:s14+$0xFFFFFFC0];
	v10 =	vmul.f32 $8.000000000e+00, v10;
	v7 =	vmul.f32 $8.000000000e+00, v11;
	v11 =	vmov s17  }
0x34: {  	v23 =	vadd.s32 v0, v4;
	[tilespmem:v12+s21+$0x0] =	vst.idx.msk $0xffff, v6;
	v12 =	vmov s18;
	v6 =	vand.u32 $0x7D, v11;
	v11 =	vld [tilespmem:s14+$0x0]  }
0x35: {  	[tilespmem:v13+s21+$0x0] =	vst.idx.msk $0xffff, v7;
	v13 =	vadd.s32 v0, v6;
	v7 =	vand.u32 $0x7E, v12;
	v12 =	vmul.f32 $8.000000000e+00, v14;
	v14 =	vld [tilespmem:s15+$0xFFFFFFE0]  }
0x36: {  	[tilespmem:v16+s21+$0x0] =	vst.idx.msk $0xffff, v10;
	v10 =	vadd.s32 v0, v7;
	v16 =	vld [tilespmem:s15+$0x20];
	v18 =	vmul.f32 $8.000000000e+00, v18  }
0x37: {  	v19 =	vmul.f32 $8.000000000e+00, v19;
	[tilespmem:v20+s21+$0x0] =	vst.idx.msk $0xffff, v12;
	v12 =	vld [tilespmem:s15+$0xFFFFFFA0];
	v20 =	vadd.s32 v2, v15  }
0x38: {  	v25 =	vadd.s32 v2, v17;
	v21 =	vmul.f32 $8.000000000e+00, v21;
	v24 =	vld [tilespmem:s14+$0x50];
	[tilespmem:v22+s21+$0x0] =	vst.idx.msk $0xffff, v18  }
0x39: {  	[tilespmem:v23+s21+$0x0] =	vst.idx.msk $0xffff, v19;
	v19 =	vadd.s32 v2, v8;
	v11 =	vmul.f32 $8.000000000e+00, v11;
	v22 =	vld [tilespmem:s15+$0x70]  }
0x3a: {  	v23 =	vld [tilespmem:s14+$0xFFFFFF90];
	[tilespmem:v13+s21+$0x0] =	vst.idx.msk $0xffff, v21;
	v21 =	vadd.s32 v1, v5;
	v14 =	vmul.f32 $8.000000000e+00, v14  }
0x3b: {  	v27 =	vadd.s32 v3, v9;
	v26 =	vld [tilespmem:s14+$0xFFFFFFD0];
	[tilespmem:v10+s21+$0x0] =	vst.idx.msk $0xffff, v11;
	v10 =	vmul.f32 $8.000000000e+00, v16  }
0x3c: {  	v18 =	vadd.s32 v1, v4;
	v13 =	vld [tilespmem:s14+$0x10];
	v9 =	vmul.f32 $8.000000000e+00, v12;
	[tilespmem:v20+s21+$0x0] =	vst.idx.msk $0xffff, v14  }
0x3d: {  	s17 =	simm.s32 $0x8;
	v16 =	vadd.s32 v1, v6;
	[tilespmem:v25+s21+$0x0] =	vst.idx.msk $0xffff, v10;
	v14 =	vmul.f32 $8.000000000e+00, v24;
	v12 =	vld [tilespmem:s15+$0xFFFFFFF0]  }
0x3e: {  	v20 =	vmov s17;
	v10 =	vadd.s32 v1, v7;
	v11 =	vld [tilespmem:s15+$0x30];
	[tilespmem:v19+s21+$0x0] =	vst.idx.msk $0xffff, v9;
	v63 =	vmul.f32 $8.000000000e+00, v22  }
0x3f: {  	s19 =	simm.s32 $0xB;
	s16 =	simm.s32 $0x6680;
	v15 =	vadd.s32 v3, v15;
	v9 =	vand.u32 $0x7C, v20;
	v20 =	vmul.f32 $8.000000000e+00, v23;
	[tilespmem:v21+s21+$0x0] =	vst.idx.msk $0xffff, v14;
	v14 =	vld [tilespmem:s15+$0xFFFFFFB0]  }
0x40: {  	v17 =	vadd.s32 v3, v17;
	s18 =	simm.s32 $0xC;
	v22 =	vmov s19;
	v19 =	vld [tilespmem:s16+$0x40];
	s15 =	sshll.u32 s12, $0x11;
	v21 =	vmul.f32 $8.000000000e+00, v26;
	[tilespmem:v27+s21+$0x0] =	vst.idx.msk $0xffff, v63  }
.LBB2_3:
0x41: {  	p0 =	slt.u32 s18, $0x7C;
	s5 =	sadd.s32 $0x1, s17;
	v22 =	vand.u32 $0x7F, v22;
	[tilespmem:v18+s21+$0x0] =	vst.idx.msk $0xffff, v20;
	v13 =	vmul.f32 $8.000000000e+00, v13;
	v18 =	vld [tilespmem:s14+$0x60];
	v20 =	vadd.s32 v3, v8;
	v8 =	vmovc v4  }
0x42: {  	v4 =	vmovc v9;
	v23 =	vld [tilespmem:s16+$0xFFFFFF80];
	v24 =	vmov s5;
	s5 =	sadd.s32 $0x2, s17;
	v25 =	vadd.s32 v0, v22;
	[tilespmem:v16+s21+$0x0] =	vst.idx.msk $0xffff, v21;
	v12 =	vmul.f32 $8.000000000e+00, v12;
	s17 =	smov.u32 s18  }
0x43: {  	v9 =	vld [tilespmem:s16+$0xFFFFFFC0];
	v16 =	vmov s5;
	[tilespmem:v10+s21+$0x0] =	vst.idx.msk $0xffff, v13;
	v10 =	vadd.s32 v2, v5;
	v11 =	vmul.f32 $8.000000000e+00, v11  }
0x44: {  	v13 =	vadd.s32 v0, v4;
	v21 =	vand.u32 $0x7D, v24;
	v24 =	vld [tilespmem:s16+$0x0];
	v14 =	vmul.f32 $8.000000000e+00, v14;
	[tilespmem:v15+s21+$0x0] =	vst.idx.msk $0xffff, v12  }
0x45: {  	v12 =	vadd.s32 v0, v21;
	v26 =	vand.u32 $0x7E, v16;
	v15 =	vmul.f32 $8.000000000e+00, v19;
	v16 =	vld [tilespmem:s14+$0xFFFFFFE0];
	[tilespmem:v17+s21+$0x0] =	vst.idx.msk $0xffff, v11  }
0x46: {  	v11 =	vadd.s32 v0, v26;
	v17 =	vld [tilespmem:s14+$0x20];
	v18 =	vmul.f32 $8.000000000e+00, v18;
	[tilespmem:v20+s21+$0x0] =	vst.idx.msk $0xffff, v14  }
0x47: {  	v19 =	vadd.s32 v2, v6;
	v14 =	vmul.f32 $8.000000000e+00, v23;
	[tilespmem:v25+s21+$0x0] =	vst.idx.msk $0xffff, v15;
	v15 =	vld [tilespmem:s14+$0xFFFFFFA0]  }
0x48: {  	v23 =	vadd.s32 v2, v7;
	v9 =	vmul.f32 $8.000000000e+00, v9;
	v20 =	vld [tilespmem:s16+$0x50];
	[tilespmem:v10+s21+$0x0] =	vst.idx.msk $0xffff, v18  }
0x49: {  	[tilespmem:v13+s21+$0x0] =	vst.idx.msk $0xffff, v14;
	v10 =	vmul.f32 $8.000000000e+00, v24;
	v14 =	vadd.s32 v2, v8;
	v24 =	vld [tilespmem:s14+$0x70]  }
0x4a: {  	v27 =	vadd.s32 v1, v22;
	v25 =	vld [tilespmem:s16+$0xFFFFFF90];
	[tilespmem:v12+s21+$0x0] =	vst.idx.msk $0xffff, v9;
	v9 =	vmul.f32 $8.000000000e+00, v16  }
0x4b: {  	v29 =	vadd.s32 v3, v5;
	v5 =	vmov v22;
	v28 =	vld [tilespmem:s16+$0xFFFFFFD0];
	[tilespmem:v11+s21+$0x0] =	vst.idx.msk $0xffff, v10;
	v10 =	vmul.f32 $8.000000000e+00, v17  }
.Ltmp0:
0x4c: {  	v18 =	vadd.s32 v1, v4;
	v13 =	vld [tilespmem:s16+$0x10];
	v11 =	vmul.f32 $8.000000000e+00, v15;
	[tilespmem:v19+s21+$0x0] =	vst.idx.msk $0xffff, v9;
	(pc) =	sbr.rel @p0 .LBB2_3-.Ltmp0, $4  }
0x4d: {  	v16 =	vadd.s32 v1, v21;
	v15 =	vmul.f32 $8.000000000e+00, v20;
	v12 =	vld [tilespmem:s14+$0xFFFFFFF0];
	[tilespmem:v23+s21+$0x0] =	vst.idx.msk $0xffff, v10  }
0x4e: {  	v9 =	vmov s18;
	v10 =	vadd.s32 v1, v26;
	[tilespmem:v14+s21+$0x0] =	vst.idx.msk $0xffff, v11;
	v11 =	vld [tilespmem:s14+$0x30];
	v23 =	vmul.f32 $8.000000000e+00, v24  }
0x4f: {  	s5 =	sadd.s32 $0x3, s18;
	v9 =	vand.u32 $0x7C, v9;
	v20 =	vmul.f32 $8.000000000e+00, v25;
	[tilespmem:v27+s21+$0x0] =	vst.idx.msk $0xffff, v15;
	v14 =	vld [tilespmem:s14+$0xFFFFFFB0];
	v15 =	vadd.s32 v3, v6;
	v6 =	vmovc v21;
	s14 =	smov.u32 s16;
	s16 =	sadd.s32 $0x100, s16  }
0x50: {  	v22 =	vmov s5;
	v17 =	vadd.s32 v3, v7;
	v7 =	vmovc v26;
	s18 =	sadd.s32 $0x4, s18;
	v19 =	vld [tilespmem:s16+$0x40];
	v21 =	vmul.f32 $8.000000000e+00, v28;
	[tilespmem:v29+s21+$0x0] =	vst.idx.msk $0xffff, v23  }
0x51: {  	s5 =	sadd.s32 $0x1, s17;
	v22 =	vand.u32 $0x7F, v22;
	v28 =	vld [tilespmem:s16+$0xFFFFFF80]  }
0x52: {  	s17 =	sadd.s32 $0x2, s17;
	v24 =	vld [tilespmem:s16+$0xFFFFFFC0];
	v23 =	vmov s5;
	v25 =	vadd.s32 v0, v22  }
0x53: {  	v27 =	vld [tilespmem:s16+$0x0];
	v51 =	vadd.s32 v0, v9;
	v26 =	vmov s17;
	v23 =	vand.u32 $0x7D, v23  }
0x54: {  	v26 =	vand.u32 $0x7E, v26;
	v29 =	vadd.s32 v0, v23  }
0x55: {  	[tilespmem:v18+s21+$0x0] =	vst.idx.msk $0xffff, v20;
	v30 =	vadd.s32 v0, v26;
	v19 =	vmul.f32 $8.000000000e+00, v19  }
0x56: {  	[tilespmem:v16+s21+$0x0] =	vst.idx.msk $0xffff, v21;
	v54 =	vmul.f32 $8.000000000e+00, v28  }
0x57: {  	v52 =	vmul.f32 $8.000000000e+00, v24;
	[tilespmem:v25+s21+$0x0] =	vst.idx.msk $0xffff, v19  }
0x58: {  	v53 =	vmul.f32 $8.000000000e+00, v27;
	v55 =	vld [tilespmem:s16+$0x50];
	[tilespmem:v51+s21+$0x0] =	vst.idx.msk $0xffff, v54  }
0x59: {  	v13 =	vmul.f32 $8.000000000e+00, v13;
	v8 =	vadd.s32 v3, v8;
	[tilespmem:v29+s21+$0x0] =	vst.idx.msk $0xffff, v52;
	v59 =	vld [tilespmem:s16+$0xFFFFFF90]  }
0x5a: {  	v12 =	vmul.f32 $8.000000000e+00, v12;
	v57 =	vadd.s32 v1, v22;
	[tilespmem:v30+s21+$0x0] =	vst.idx.msk $0xffff, v53;
	v56 =	vld [tilespmem:s16+$0xFFFFFFD0]  }
0x5b: {  	[tilespmem:v10+s21+$0x0] =	vst.idx.msk $0xffff, v13;
	v58 =	vmul.f32 $8.000000000e+00, v11;
	v28 =	vadd.s32 v1, v9;
	v19 =	vld [tilespmem:s16+$0x10]  }
0x5c: {  	v61 =	vld [tilespmem:s14+$0x60];
	v60 =	vadd.s32 v1, v23;
	v14 =	vmul.f32 $8.000000000e+00, v14;
	[tilespmem:v15+s21+$0x0] =	vst.idx.msk $0xffff, v12  }
0x5d: {  	v32 =	vld [tilespmem:s14+$0xFFFFFFA0];
	v62 =	vadd.s32 v1, v26;
	[tilespmem:v17+s21+$0x0] =	vst.idx.msk $0xffff, v58;
	v16 =	vmul.f32 $8.000000000e+00, v55  }
0x5e: {  	[tilespmem:v8+s21+$0x0] =	vst.idx.msk $0xffff, v14;
	v29 =	vadd.s32 v2, v5;
	v30 =	vld [tilespmem:s14+$0x20];
	v11 =	vmul.f32 $8.000000000e+00, v59  }
0x5f: {  	v38 =	vadd.s32 v2, v4;
	v63 =	vld [tilespmem:s14+$0xFFFFFFE0];
	v31 =	vmul.f32 $8.000000000e+00, v56;
	[tilespmem:v57+s21+$0x0] =	vst.idx.msk $0xffff, v16  }
0x60: {  	v35 =	vadd.s32 v2, v7;
	v34 =	vmul.f32 $8.000000000e+00, v19;
	v36 =	vld [tilespmem:s16+$0x60];
	[tilespmem:v28+s21+$0x0] =	vst.idx.msk $0xffff, v11  }
0x61: {  	v33 =	vadd.s32 v2, v6;
	v37 =	vmul.f32 $8.000000000e+00, v61;
	[tilespmem:v60+s21+$0x0] =	vst.idx.msk $0xffff, v31;
	v43 =	vld [tilespmem:s16+$0xFFFFFFA0]  }
0x62: {  	v40 =	vadd.s32 v2, v22;
	v14 =	vmul.f32 $8.000000000e+00, v32;
	[tilespmem:v62+s21+$0x0] =	vst.idx.msk $0xffff, v34;
	v39 =	vld [tilespmem:s16+$0xFFFFFFE0]  }
0x63: {  	v48 =	vadd.s32 v2, v9;
	[tilespmem:v29+s21+$0x0] =	vst.idx.msk $0xffff, v37;
	v42 =	vmul.f32 $8.000000000e+00, v30;
	v41 =	vld [tilespmem:s16+$0x20]  }
0x64: {  	v44 =	vadd.s32 v2, v23;
	v15 =	vmul.f32 $8.000000000e+00, v63;
	[tilespmem:v38+s21+$0x0] =	vst.idx.msk $0xffff, v14;
	v45 =	vld [tilespmem:s14+$0x70]  }
0x65: {  	v46 =	vadd.s32 v2, v26;
	v14 =	vld [tilespmem:s14+$0xFFFFFFB0];
	[tilespmem:v35+s21+$0x0] =	vst.idx.msk $0xffff, v42;
	v47 =	vmul.f32 $8.000000000e+00, v36  }
0x66: {  	v5 =	vadd.s32 v3, v5;
	[tilespmem:v33+s21+$0x0] =	vst.idx.msk $0xffff, v15;
	v49 =	vld [tilespmem:s14+$0x30];
	v53 =	vmul.f32 $8.000000000e+00, v43  }
0x67: {  	v4 =	vadd.s32 v3, v4;
	v21 =	vld [tilespmem:s14+$0xFFFFFFF0];
	v12 =	vmul.f32 $8.000000000e+00, v39;
	[tilespmem:v40+s21+$0x0] =	vst.idx.msk $0xffff, v47  }
0x68: {  	v52 =	vadd.s32 v3, v7;
	v51 =	vmul.f32 $8.000000000e+00, v41;
	v10 =	vld [tilespmem:s16+$0x70];
	[tilespmem:v48+s21+$0x0] =	vst.idx.msk $0xffff, v53  }
0x69: {  	v50 =	vadd.s32 v3, v6;
	v54 =	vmul.f32 $8.000000000e+00, v45;
	[tilespmem:v44+s21+$0x0] =	vst.idx.msk $0xffff, v12;
	v59 =	vld [tilespmem:s16+$0xFFFFFFB0]  }
0x6a: {  	v57 =	vadd.s32 v3, v22;
	v14 =	vmul.f32 $8.000000000e+00, v14;
	[tilespmem:v46+s21+$0x0] =	vst.idx.msk $0xffff, v51;
	v55 =	vld [tilespmem:s16+$0xFFFFFFF0]  }
0x6b: {  	v62 =	vadd.s32 v3, v9;
	[tilespmem:v5+s21+$0x0] =	vst.idx.msk $0xffff, v54;
	v5 =	vmul.f32 $8.000000000e+00, v49;
	v58 =	vld [tilespmem:s16+$0x30]  }
0x6c: {  	v56 =	vmul.f32 $8.000000000e+00, v21;
	v60 =	vadd.s32 v3, v23;
	[tilespmem:v4+s21+$0x0] =	vst.idx.msk $0xffff, v14  }
0x6d: {  	v61 =	vadd.s32 v3, v26;
	[tilespmem:v52+s21+$0x0] =	vst.idx.msk $0xffff, v5;
	v5 =	vmul.f32 $8.000000000e+00, v10  }
0x6e: {  	[tilespmem:v50+s21+$0x0] =	vst.idx.msk $0xffff, v56;
	v63 =	vmul.f32 $8.000000000e+00, v59  }
0x6f: {  	p0 =	seq.s32 s12, $0x31;
	v4 =	vmul.f32 $8.000000000e+00, v55;
	[tilespmem:v57+s21+$0x0] =	vst.idx.msk $0xffff, v5  }
0x70: {  	s5 =	sshll.u32 @!p0 s12, $0x9;
	v5 =	vmul.f32 $8.000000000e+00, v58;
	[tilespmem:v62+s21+$0x0] =	vst.idx.msk $0xffff, v63  }
0x71: {  	s15 =	sor.u32 s6, s15;
	s14 =	sand.u32 @!p0 $0x3FFFFE00, s5;
	[tilespmem:v60+s21+$0x0] =	vst.idx.msk $0xffff, v4  }
0x72: {  	s17 =	simm.s32 @!p0 $0x6400;
	s5 =	sadd.s32 @!p0 $0x200, s14;
	s16 =	simm.s32 @!p0 $0x80;
	[tilespmem:v61+s21+$0x0] =	vst.idx.msk $0xffff, v5  }
0x73: {  	[tilespmem:s17], [sflag:$0x2] =	stream.indirect.gather @!p0 [hbm4b:s4+s16], $0x40, s5, s16, $0xb8;
	[tilespmem:$0x16C00] =	vst v63  }
0x74: {  	s18 =	simm.s32 $0xE400;
	s17 =	sadd.s32 s2, s15  }
0x75: {  	[hbm4b:s17+s3] =	stream.linear.scatter [tilespmem:s18], [sflag:$0x6], $0x80, $0x38;
	[tilespmem:$0x16C00] =	vst v63  }
0x76: {  	s19 =	simm.s32 $0xE488;
	s10 =	sadd.s32 $0x10, s17  }
0x77: {  	[hbm4b:s10+s3] =	stream.linear.scatter [tilespmem:s19], [sflag:$0x6], $0x80, $0x38;
	[tilespmem:$0x16C00] =	vst v63  }
0x78: {  	s16 =	simm.s32 $0xE510;
	s18 =	sadd.s32 $0x20, s17  }
0x79: {  	[hbm4b:s18+s3] =	stream.linear.scatter [tilespmem:s16], [sflag:$0x6], $0x80, $0x38;
	[tilespmem:$0x16C00] =	vst v63  }
0x7a: {  	s19 =	simm.s32 $0xE598;
	s10 =	sadd.s32 $0x30, s17  }
0x7b: {  	[hbm4b:s10+s3] =	stream.linear.scatter [tilespmem:s19], [sflag:$0x6], $0x80, $0x38;
	[tilespmem:$0x16C00] =	vst v63  }
0x7c: {  	s16 =	simm.s32 $0xE620;
	s18 =	sadd.s32 $0x40, s17  }
0x7d: {  	[hbm4b:s18+s3] =	stream.linear.scatter [tilespmem:s16], [sflag:$0x6], $0x80, $0x38;
	[tilespmem:$0x16C00] =	vst v63  }
0x7e: {  	s5 =	sadd.s32 $0x70, s17;
	s19 =	simm.s32 $0xE6A8;
	s10 =	sadd.s32 $0x50, s17  }
0x7f: {  	[hbm4b:s10+s3] =	stream.linear.scatter [tilespmem:s19], [sflag:$0x6], $0x80, $0x38;
	[tilespmem:$0x16C00] =	vst v63  }
0x80: {  	s18 =	simm.s32 $0xE730;
	s16 =	simm.s32 $0x440;
	s19 =	sadd.s32 $0x60, s17  }
0x81: {  	[hbm4b:s19+s3] =	stream.linear.scatter [tilespmem:s18], [sflag:$0x6], $0x80, $0x38;
	[tilespmem:$0x16C00] =	vst v63  }
0x82: {  	s17 =	sadd.s32 $0x1000, s17;
	s18 =	simm.s32 $0x2200;
	s19 =	simm.s32 $0xE7B8  }
.LBB2_5:
0x83: {  	[hbm4b:s5+s3] =	stream.linear.scatter [tilespmem:s19], [sflag:$0x6], $0x80, $0x38;
	[tilespmem:$0x16C00] =	vst v63  }
0x84: {  	s5 =	smov.u32 s16;
	s16 =	smov.u32 s18  }
0x85: {  	s10 =	sadd.s32 $0x1100, s18;
	s16 =	sshra.s32 s16, $0x2;
	s19 =	sadd.s32 $0xE400, s5  }
0x86: {  	[hbm4b:s17+s3] =	stream.linear.scatter [tilespmem:s19], [sflag:$0x6], $0x80, $0x38;
	[tilespmem:$0x16C00] =	vst v63  }
0x87: {  	p2 =	sne.s32 s18, $0x7700;
	s18 =	sadd.s32 $0xE488, s5;
	s19 =	sadd.s32 $0x10, s17  }
0x88: {  	[hbm4b:s19+s3] =	stream.linear.scatter [tilespmem:s18], [sflag:$0x6], $0x80, $0x38;
	[tilespmem:$0x16C00] =	vst v63  }
0x89: {  	s18 =	sadd.s32 $0xE510, s5;
	s19 =	sadd.s32 $0x20, s17  }
0x8a: {  	[hbm4b:s19+s3] =	stream.linear.scatter [tilespmem:s18], [sflag:$0x6], $0x80, $0x38;
	[tilespmem:$0x16C00] =	vst v63  }
0x8b: {  	s18 =	sadd.s32 $0xE598, s5;
	s19 =	sadd.s32 $0x30, s17  }
0x8c: {  	[hbm4b:s19+s3] =	stream.linear.scatter [tilespmem:s18], [sflag:$0x6], $0x80, $0x38;
	[tilespmem:$0x16C00] =	vst v63  }
0x8d: {  	s18 =	sadd.s32 $0xE620, s5;
	s19 =	sadd.s32 $0x40, s17  }
0x8e: {  	[hbm4b:s19+s3] =	stream.linear.scatter [tilespmem:s18], [sflag:$0x6], $0x80, $0x38;
	[tilespmem:$0x16C00] =	vst v63  }
0x8f: {  	s18 =	sadd.s32 $0xE6A8, s5;
	s19 =	sadd.s32 $0x50, s17  }
0x90: {  	[hbm4b:s19+s3] =	stream.linear.scatter [tilespmem:s18], [sflag:$0x6], $0x80, $0x38;
	[tilespmem:$0x16C00] =	vst v63  }
.Ltmp1:
0x91: {  	_ = 	snop;
	(pc) =	sbr.rel @p2 .LBB2_5-.Ltmp1, $4  }
0x92: {  	s18 =	sadd.s32 $0xE730, s5;
	s19 =	sadd.s32 $0x60, s17  }
0x93: {  	[hbm4b:s19+s3] =	stream.linear.scatter [tilespmem:s18], [sflag:$0x6], $0x80, $0x38;
	[tilespmem:$0x16C00] =	vst v63  }
0x94: {  	s19 =	sadd.s32 $0xE7B8, s5  }
0x95: {  	s5 =	sadd.s32 $0x70, s17;
	s17 =	sadd.s32 $0x1000, s17;
	s18 =	smov.u32 s10  }
0x96: {  	[hbm4b:s5+s3] =	stream.linear.scatter [tilespmem:s19], [sflag:$0x6], $0x80, $0x38;
	[tilespmem:$0x16C00] =	vst v63  }
0x97: {  	s18 =	sadd.s32 $0xE400, s16  }
0x98: {  	[hbm4b:s17+s3] =	stream.linear.scatter [tilespmem:s18], [sflag:$0x6], $0x80, $0x38;
	[tilespmem:$0x16C00] =	vst v63  }
0x99: {  	s19 =	sadd.s32 $0xE488, s16;
	s10 =	sadd.s32 $0x10, s17  }
0x9a: {  	[hbm4b:s10+s3] =	stream.linear.scatter [tilespmem:s19], [sflag:$0x6], $0x80, $0x38;
	[tilespmem:$0x16C00] =	vst v63  }
0x9b: {  	s18 =	sadd.s32 $0xE510, s16;
	s19 =	sadd.s32 $0x20, s17  }
0x9c: {  	[hbm4b:s19+s3] =	stream.linear.scatter [tilespmem:s18], [sflag:$0x6], $0x80, $0x38;
	[tilespmem:$0x16C00] =	vst v63  }
0x9d: {  	s18 =	sadd.s32 $0xE598, s16;
	s19 =	sadd.s32 $0x30, s17  }
0x9e: {  	[hbm4b:s19+s3] =	stream.linear.scatter [tilespmem:s18], [sflag:$0x6], $0x80, $0x38;
	[tilespmem:$0x16C00] =	vst v63  }
0x9f: {  	s18 =	sadd.s32 $0xE620, s16;
	s19 =	sadd.s32 $0x40, s17  }
0xa0: {  	[hbm4b:s19+s3] =	stream.linear.scatter [tilespmem:s18], [sflag:$0x6], $0x80, $0x38;
	[tilespmem:$0x16C00] =	vst v63  }
0xa1: {  	s18 =	sadd.s32 $0xE6A8, s16;
	s19 =	sadd.s32 $0x50, s17  }
0xa2: {  	[hbm4b:s19+s3] =	stream.linear.scatter [tilespmem:s18], [sflag:$0x6], $0x80, $0x38;
	[tilespmem:$0x16C00] =	vst v63  }
0xa3: {  	s18 =	sadd.s32 $0xE730, s16;
	s19 =	sadd.s32 $0x60, s17  }
0xa4: {  	[hbm4b:s19+s3] =	stream.linear.scatter [tilespmem:s18], [sflag:$0x6], $0x80, $0x38;
	[tilespmem:$0x16C00] =	vst v63  }
0xa5: {  	s10 =	sadd.s32 $0xE7B8, s16;
	s16 =	sadd.s32 $0x70, s17  }
0xa6: {  	[hbm4b:s16+s3] =	stream.linear.scatter [tilespmem:s10], [sflag:$0x6], $0x80, $0x38;
	[tilespmem:$0x16C00] =	vst v63  }
0xa7: {  	_ =	swait.ge [sflag:s22], $0x2000  }
0xa8: {  	[sflag:s22] =	ssyncset.done $0x0  }
0xa9: {  	s5 =	simm.s32 @!p1 $0x7;
	[sflag:s22] =	ssyncadd.s32 $0xFFFFE000  }
0xaa: {  	_ =	swait.ge @!p1 [sflag:s5], $0x2000  }
0xab: {  	[sflag:s5] =	ssyncset.done @!p1 $0x0  }
0xac: {  	s17 =	simm.s32 $0x3;
	s19 =	simm.s32 $0x8480;
	[sflag:s5] =	ssyncadd.s32 @!p1 $0xFFFFE000  }
0xad: {  	v4 =	vmov s17;
	v5 =	vld [tilespmem:s19+$0x40]  }
0xae: {  	v9 =	vand.u32 $0x7F, v4  }
0xaf: {  	s18 =	simm.s32 $0x0;
	v4 =	vadd.s32 v0, v9  }
0xb0: {  	v6 =	vmov s18;
	s10 =	simm.s32 $0x1;
	s16 =	simm.s32 $0x2;
	v7 =	vld [tilespmem:s19+$0xFFFFFF80]  }
0xb1: {  	v8 =	vand.u32 $0x7C, v6;
	v6 =	vmov s10;
	v11 =	vmov s16;
	v10 =	vld [tilespmem:s19+$0xFFFFFFC0]  }
0xb2: {  	v12 =	vadd.s32 v0, v8;
	v15 =	vand.u32 $0x7D, v6;
	v6 =	vld [tilespmem:s19+$0x0];
	v5 =	vmul.f32 $8.000000000e+00, v5  }
0xb3: {  	v17 =	vand.u32 $0x7E, v11;
	v13 =	vadd.s32 v0, v15  }
0xb4: {  	v11 =	vadd.s32 v0, v17;
	[tilespmem:v4+s23+$0x0] =	vst.idx.msk $0xffff, v5  }
0xb5: {  	v4 =	vmul.f32 $8.000000000e+00, v7;
	v5 =	vld [tilespmem:s19+$0x50]  }
0xb6: {  	v7 =	vmul.f32 $8.000000000e+00, v10  }
0xb7: {  	[tilespmem:v12+s23+$0x0] =	vst.idx.msk $0xffff, v4;
	v4 =	vmul.f32 $8.000000000e+00, v6;
	v6 =	vadd.s32 v1, v9  }
0xb8: {  	[tilespmem:v13+s23+$0x0] =	vst.idx.msk $0xffff, v7;
	v10 =	vld [tilespmem:s19+$0xFFFFFF90]  }
0xb9: {  	v7 =	vld [tilespmem:s19+$0xFFFFFFD0];
	[tilespmem:v11+s23+$0x0] =	vst.idx.msk $0xffff, v4  }
0xba: {  	v11 =	vld [tilespmem:s19+$0x10];
	v4 =	vmul.f32 $8.000000000e+00, v5  }
0xbb: {  	s17 =	simm.s32 $0x4;
	s18 =	simm.s32 $0x7;
	s16 =	simm.s32 $0x8580;
	v12 =	vadd.s32 v1, v15  }
0xbc: {  	v14 =	vld [tilespmem:s16+$0x40];
	v13 =	vadd.s32 v1, v17;
	v5 =	vmov s17;
	[tilespmem:v6+s23+$0x0] =	vst.idx.msk $0xffff, v4;
	v6 =	vmov s18  }
0xbd: {  	v16 =	vadd.s32 v1, v8;
	v4 =	vand.u32 $0x7C, v5;
	v5 =	vand.u32 $0x7F, v6;
	v18 =	vld [tilespmem:s19+$0x60]  }
0xbe: {  	v22 =	vadd.s32 v2, v9;
	v19 =	vld [tilespmem:s16+$0xFFFFFF80];
	s17 =	simm.s32 $0x5;
	v6 =	vmul.f32 $8.000000000e+00, v7;
	v20 =	vadd.s32 v0, v5  }
0xbf: {  	v21 =	vld [tilespmem:s16+$0xFFFFFFC0];
	v10 =	vmul.f32 $8.000000000e+00, v10;
	s18 =	simm.s32 $0x6;
	v7 =	vmul.f32 $8.000000000e+00, v11;
	v11 =	vmov s17  }
0xc0: {  	v23 =	vadd.s32 v0, v4;
	[tilespmem:v12+s23+$0x0] =	vst.idx.msk $0xffff, v6;
	v12 =	vmov s18;
	v6 =	vand.u32 $0x7D, v11;
	v11 =	vld [tilespmem:s16+$0x0]  }
0xc1: {  	[tilespmem:v13+s23+$0x0] =	vst.idx.msk $0xffff, v7;
	v13 =	vadd.s32 v0, v6;
	v7 =	vand.u32 $0x7E, v12;
	v12 =	vmul.f32 $8.000000000e+00, v14;
	v14 =	vld [tilespmem:s19+$0xFFFFFFE0]  }
0xc2: {  	[tilespmem:v16+s23+$0x0] =	vst.idx.msk $0xffff, v10;
	v10 =	vadd.s32 v0, v7;
	v16 =	vld [tilespmem:s19+$0x20];
	v18 =	vmul.f32 $8.000000000e+00, v18  }
0xc3: {  	v19 =	vmul.f32 $8.000000000e+00, v19;
	[tilespmem:v20+s23+$0x0] =	vst.idx.msk $0xffff, v12;
	v12 =	vld [tilespmem:s19+$0xFFFFFFA0];
	v20 =	vadd.s32 v2, v15  }
0xc4: {  	v25 =	vadd.s32 v2, v17;
	v21 =	vmul.f32 $8.000000000e+00, v21;
	v24 =	vld [tilespmem:s16+$0x50];
	[tilespmem:v22+s23+$0x0] =	vst.idx.msk $0xffff, v18  }
0xc5: {  	[tilespmem:v23+s23+$0x0] =	vst.idx.msk $0xffff, v19;
	v19 =	vadd.s32 v2, v8;
	v11 =	vmul.f32 $8.000000000e+00, v11;
	v22 =	vld [tilespmem:s19+$0x70]  }
0xc6: {  	v23 =	vld [tilespmem:s16+$0xFFFFFF90];
	[tilespmem:v13+s23+$0x0] =	vst.idx.msk $0xffff, v21;
	v21 =	vadd.s32 v1, v5;
	v14 =	vmul.f32 $8.000000000e+00, v14  }
0xc7: {  	v27 =	vadd.s32 v3, v9;
	v26 =	vld [tilespmem:s16+$0xFFFFFFD0];
	[tilespmem:v10+s23+$0x0] =	vst.idx.msk $0xffff, v11;
	v10 =	vmul.f32 $8.000000000e+00, v16  }
0xc8: {  	v18 =	vadd.s32 v1, v4;
	v13 =	vld [tilespmem:s16+$0x10];
	v9 =	vmul.f32 $8.000000000e+00, v12;
	[tilespmem:v20+s23+$0x0] =	vst.idx.msk $0xffff, v14  }
0xc9: {  	s18 =	simm.s32 $0x8;
	v16 =	vadd.s32 v1, v6;
	[tilespmem:v25+s23+$0x0] =	vst.idx.msk $0xffff, v10;
	v14 =	vmul.f32 $8.000000000e+00, v24;
	v12 =	vld [tilespmem:s19+$0xFFFFFFF0]  }
0xca: {  	v20 =	vmov s18;
	v10 =	vadd.s32 v1, v7;
	v11 =	vld [tilespmem:s19+$0x30];
	[tilespmem:v19+s23+$0x0] =	vst.idx.msk $0xffff, v9;
	v63 =	vmul.f32 $8.000000000e+00, v22  }
0xcb: {  	s10 =	simm.s32 $0xB;
	s17 =	simm.s32 $0x8680;
	v15 =	vadd.s32 v3, v15;
	v9 =	vand.u32 $0x7C, v20;
	v20 =	vmul.f32 $8.000000000e+00, v23;
	[tilespmem:v21+s23+$0x0] =	vst.idx.msk $0xffff, v14;
	v14 =	vld [tilespmem:s19+$0xFFFFFFB0]  }
0xcc: {  	v17 =	vadd.s32 v3, v17;
	v22 =	vmov s10;
	v19 =	vld [tilespmem:s17+$0x40];
	s19 =	simm.s32 $0xC;
	v21 =	vmul.f32 $8.000000000e+00, v26;
	[tilespmem:v27+s23+$0x0] =	vst.idx.msk $0xffff, v63  }
.LBB2_7:
0xcd: {  	p2 =	slt.u32 s19, $0x7C;
	s5 =	sadd.s32 $0x1, s18;
	v22 =	vand.u32 $0x7F, v22;
	[tilespmem:v18+s23+$0x0] =	vst.idx.msk $0xffff, v20;
	v13 =	vmul.f32 $8.000000000e+00, v13;
	v18 =	vld [tilespmem:s16+$0x60];
	v20 =	vadd.s32 v3, v8;
	v8 =	vmovc v4  }
0xce: {  	v4 =	vmovc v9;
	v23 =	vld [tilespmem:s17+$0xFFFFFF80];
	v24 =	vmov s5;
	s5 =	sadd.s32 $0x2, s18;
	v25 =	vadd.s32 v0, v22;
	[tilespmem:v16+s23+$0x0] =	vst.idx.msk $0xffff, v21;
	v12 =	vmul.f32 $8.000000000e+00, v12;
	s18 =	smov.u32 s19  }
0xcf: {  	v9 =	vld [tilespmem:s17+$0xFFFFFFC0];
	v16 =	vmov s5;
	[tilespmem:v10+s23+$0x0] =	vst.idx.msk $0xffff, v13;
	v10 =	vadd.s32 v2, v5;
	v11 =	vmul.f32 $8.000000000e+00, v11  }
0xd0: {  	v13 =	vadd.s32 v0, v4;
	v21 =	vand.u32 $0x7D, v24;
	v24 =	vld [tilespmem:s17+$0x0];
	v14 =	vmul.f32 $8.000000000e+00, v14;
	[tilespmem:v15+s23+$0x0] =	vst.idx.msk $0xffff, v12  }
0xd1: {  	v12 =	vadd.s32 v0, v21;
	v26 =	vand.u32 $0x7E, v16;
	v15 =	vmul.f32 $8.000000000e+00, v19;
	v16 =	vld [tilespmem:s16+$0xFFFFFFE0];
	[tilespmem:v17+s23+$0x0] =	vst.idx.msk $0xffff, v11  }
0xd2: {  	v11 =	vadd.s32 v0, v26;
	v17 =	vld [tilespmem:s16+$0x20];
	v18 =	vmul.f32 $8.000000000e+00, v18;
	[tilespmem:v20+s23+$0x0] =	vst.idx.msk $0xffff, v14  }
0xd3: {  	v19 =	vadd.s32 v2, v6;
	v14 =	vmul.f32 $8.000000000e+00, v23;
	[tilespmem:v25+s23+$0x0] =	vst.idx.msk $0xffff, v15;
	v15 =	vld [tilespmem:s16+$0xFFFFFFA0]  }
0xd4: {  	v23 =	vadd.s32 v2, v7;
	v9 =	vmul.f32 $8.000000000e+00, v9;
	v20 =	vld [tilespmem:s17+$0x50];
	[tilespmem:v10+s23+$0x0] =	vst.idx.msk $0xffff, v18  }
0xd5: {  	[tilespmem:v13+s23+$0x0] =	vst.idx.msk $0xffff, v14;
	v10 =	vmul.f32 $8.000000000e+00, v24;
	v14 =	vadd.s32 v2, v8;
	v24 =	vld [tilespmem:s16+$0x70]  }
0xd6: {  	v27 =	vadd.s32 v1, v22;
	v25 =	vld [tilespmem:s17+$0xFFFFFF90];
	[tilespmem:v12+s23+$0x0] =	vst.idx.msk $0xffff, v9;
	v9 =	vmul.f32 $8.000000000e+00, v16  }
0xd7: {  	v29 =	vadd.s32 v3, v5;
	v5 =	vmov v22;
	v28 =	vld [tilespmem:s17+$0xFFFFFFD0];
	[tilespmem:v11+s23+$0x0] =	vst.idx.msk $0xffff, v10;
	v10 =	vmul.f32 $8.000000000e+00, v17  }
.Ltmp2:
0xd8: {  	v18 =	vadd.s32 v1, v4;
	v13 =	vld [tilespmem:s17+$0x10];
	v11 =	vmul.f32 $8.000000000e+00, v15;
	[tilespmem:v19+s23+$0x0] =	vst.idx.msk $0xffff, v9;
	(pc) =	sbr.rel @p2 .LBB2_7-.Ltmp2, $4  }
0xd9: {  	v16 =	vadd.s32 v1, v21;
	v15 =	vmul.f32 $8.000000000e+00, v20;
	v12 =	vld [tilespmem:s16+$0xFFFFFFF0];
	[tilespmem:v23+s23+$0x0] =	vst.idx.msk $0xffff, v10  }
0xda: {  	v9 =	vmov s19;
	v10 =	vadd.s32 v1, v26;
	[tilespmem:v14+s23+$0x0] =	vst.idx.msk $0xffff, v11;
	v11 =	vld [tilespmem:s16+$0x30];
	v23 =	vmul.f32 $8.000000000e+00, v24  }
0xdb: {  	s5 =	sadd.s32 $0x3, s19;
	v9 =	vand.u32 $0x7C, v9;
	v20 =	vmul.f32 $8.000000000e+00, v25;
	[tilespmem:v27+s23+$0x0] =	vst.idx.msk $0xffff, v15;
	v14 =	vld [tilespmem:s16+$0xFFFFFFB0];
	v15 =	vadd.s32 v3, v6;
	v6 =	vmovc v21;
	s16 =	smov.u32 s17;
	s17 =	sadd.s32 $0x100, s17  }
0xdc: {  	v22 =	vmov s5;
	v17 =	vadd.s32 v3, v7;
	v7 =	vmovc v26;
	s19 =	sadd.s32 $0x4, s19;
	v19 =	vld [tilespmem:s17+$0x40];
	v21 =	vmul.f32 $8.000000000e+00, v28;
	[tilespmem:v29+s23+$0x0] =	vst.idx.msk $0xffff, v23  }
0xdd: {  	s5 =	sadd.s32 $0x1, s18;
	v22 =	vand.u32 $0x7F, v22;
	v28 =	vld [tilespmem:s17+$0xFFFFFF80]  }
0xde: {  	s18 =	sadd.s32 $0x2, s18;
	v24 =	vld [tilespmem:s17+$0xFFFFFFC0];
	v23 =	vmov s5;
	v25 =	vadd.s32 v0, v22  }
0xdf: {  	v27 =	vld [tilespmem:s17+$0x0];
	v51 =	vadd.s32 v0, v9;
	v26 =	vmov s18;
	v23 =	vand.u32 $0x7D, v23  }
0xe0: {  	v26 =	vand.u32 $0x7E, v26;
	v29 =	vadd.s32 v0, v23  }
0xe1: {  	[tilespmem:v18+s23+$0x0] =	vst.idx.msk $0xffff, v20;
	v30 =	vadd.s32 v0, v26;
	v19 =	vmul.f32 $8.000000000e+00, v19  }
0xe2: {  	[tilespmem:v16+s23+$0x0] =	vst.idx.msk $0xffff, v21;
	v54 =	vmul.f32 $8.000000000e+00, v28  }
0xe3: {  	v52 =	vmul.f32 $8.000000000e+00, v24;
	[tilespmem:v25+s23+$0x0] =	vst.idx.msk $0xffff, v19  }
0xe4: {  	v53 =	vmul.f32 $8.000000000e+00, v27;
	v55 =	vld [tilespmem:s17+$0x50];
	[tilespmem:v51+s23+$0x0] =	vst.idx.msk $0xffff, v54  }
0xe5: {  	v13 =	vmul.f32 $8.000000000e+00, v13;
	v8 =	vadd.s32 v3, v8;
	[tilespmem:v29+s23+$0x0] =	vst.idx.msk $0xffff, v52;
	v59 =	vld [tilespmem:s17+$0xFFFFFF90]  }
0xe6: {  	v12 =	vmul.f32 $8.000000000e+00, v12;
	v57 =	vadd.s32 v1, v22;
	[tilespmem:v30+s23+$0x0] =	vst.idx.msk $0xffff, v53;
	v56 =	vld [tilespmem:s17+$0xFFFFFFD0]  }
0xe7: {  	[tilespmem:v10+s23+$0x0] =	vst.idx.msk $0xffff, v13;
	v58 =	vmul.f32 $8.000000000e+00, v11;
	v28 =	vadd.s32 v1, v9;
	v19 =	vld [tilespmem:s17+$0x10]  }
0xe8: {  	v61 =	vld [tilespmem:s16+$0x60];
	v60 =	vadd.s32 v1, v23;
	v14 =	vmul.f32 $8.000000000e+00, v14;
	[tilespmem:v15+s23+$0x0] =	vst.idx.msk $0xffff, v12  }
0xe9: {  	v32 =	vld [tilespmem:s16+$0xFFFFFFA0];
	v62 =	vadd.s32 v1, v26;
	[tilespmem:v17+s23+$0x0] =	vst.idx.msk $0xffff, v58;
	v16 =	vmul.f32 $8.000000000e+00, v55  }
0xea: {  	[tilespmem:v8+s23+$0x0] =	vst.idx.msk $0xffff, v14;
	v29 =	vadd.s32 v2, v5;
	v30 =	vld [tilespmem:s16+$0x20];
	v11 =	vmul.f32 $8.000000000e+00, v59  }
0xeb: {  	v38 =	vadd.s32 v2, v4;
	v63 =	vld [tilespmem:s16+$0xFFFFFFE0];
	v31 =	vmul.f32 $8.000000000e+00, v56;
	[tilespmem:v57+s23+$0x0] =	vst.idx.msk $0xffff, v16  }
0xec: {  	v35 =	vadd.s32 v2, v7;
	v34 =	vmul.f32 $8.000000000e+00, v19;
	v36 =	vld [tilespmem:s17+$0x60];
	[tilespmem:v28+s23+$0x0] =	vst.idx.msk $0xffff, v11  }
0xed: {  	v33 =	vadd.s32 v2, v6;
	v37 =	vmul.f32 $8.000000000e+00, v61;
	[tilespmem:v60+s23+$0x0] =	vst.idx.msk $0xffff, v31;
	v43 =	vld [tilespmem:s17+$0xFFFFFFA0]  }
0xee: {  	v40 =	vadd.s32 v2, v22;
	v14 =	vmul.f32 $8.000000000e+00, v32;
	[tilespmem:v62+s23+$0x0] =	vst.idx.msk $0xffff, v34;
	v39 =	vld [tilespmem:s17+$0xFFFFFFE0]  }
0xef: {  	v48 =	vadd.s32 v2, v9;
	[tilespmem:v29+s23+$0x0] =	vst.idx.msk $0xffff, v37;
	v42 =	vmul.f32 $8.000000000e+00, v30;
	v41 =	vld [tilespmem:s17+$0x20]  }
0xf0: {  	v44 =	vadd.s32 v2, v23;
	v15 =	vmul.f32 $8.000000000e+00, v63;
	[tilespmem:v38+s23+$0x0] =	vst.idx.msk $0xffff, v14;
	v45 =	vld [tilespmem:s16+$0x70]  }
0xf1: {  	v46 =	vadd.s32 v2, v26;
	v14 =	vld [tilespmem:s16+$0xFFFFFFB0];
	[tilespmem:v35+s23+$0x0] =	vst.idx.msk $0xffff, v42;
	v47 =	vmul.f32 $8.000000000e+00, v36  }
0xf2: {  	v5 =	vadd.s32 v3, v5;
	[tilespmem:v33+s23+$0x0] =	vst.idx.msk $0xffff, v15;
	v49 =	vld [tilespmem:s16+$0x30];
	v53 =	vmul.f32 $8.000000000e+00, v43  }
0xf3: {  	v4 =	vadd.s32 v3, v4;
	v21 =	vld [tilespmem:s16+$0xFFFFFFF0];
	v12 =	vmul.f32 $8.000000000e+00, v39;
	[tilespmem:v40+s23+$0x0] =	vst.idx.msk $0xffff, v47  }
0xf4: {  	v52 =	vadd.s32 v3, v7;
	v51 =	vmul.f32 $8.000000000e+00, v41;
	v10 =	vld [tilespmem:s17+$0x70];
	[tilespmem:v48+s23+$0x0] =	vst.idx.msk $0xffff, v53  }
0xf5: {  	v50 =	vadd.s32 v3, v6;
	v54 =	vmul.f32 $8.000000000e+00, v45;
	[tilespmem:v44+s23+$0x0] =	vst.idx.msk $0xffff, v12;
	v59 =	vld [tilespmem:s17+$0xFFFFFFB0]  }
0xf6: {  	v57 =	vadd.s32 v3, v22;
	v14 =	vmul.f32 $8.000000000e+00, v14;
	[tilespmem:v46+s23+$0x0] =	vst.idx.msk $0xffff, v51;
	v55 =	vld [tilespmem:s17+$0xFFFFFFF0]  }
0xf7: {  	v62 =	vadd.s32 v3, v9;
	[tilespmem:v5+s23+$0x0] =	vst.idx.msk $0xffff, v54;
	v5 =	vmul.f32 $8.000000000e+00, v49;
	v58 =	vld [tilespmem:s17+$0x30]  }
0xf8: {  	v56 =	vmul.f32 $8.000000000e+00, v21;
	v60 =	vadd.s32 v3, v23;
	[tilespmem:v4+s23+$0x0] =	vst.idx.msk $0xffff, v14  }
0xf9: {  	v61 =	vadd.s32 v3, v26;
	[tilespmem:v52+s23+$0x0] =	vst.idx.msk $0xffff, v5;
	v5 =	vmul.f32 $8.000000000e+00, v10  }
0xfa: {  	[tilespmem:v50+s23+$0x0] =	vst.idx.msk $0xffff, v56;
	v63 =	vmul.f32 $8.000000000e+00, v59  }
0xfb: {  	v4 =	vmul.f32 $8.000000000e+00, v55;
	[tilespmem:v57+s23+$0x0] =	vst.idx.msk $0xffff, v5  }
0xfc: {  	v5 =	vmul.f32 $8.000000000e+00, v58;
	[tilespmem:v62+s23+$0x0] =	vst.idx.msk $0xffff, v63  }
0xfd: {  	[tilespmem:v60+s23+$0x0] =	vst.idx.msk $0xffff, v4  }
0xfe: {  	s10 =	simm.s32 @!p0 $0x80;
	s5 =	sadd.s32 @!p0 $0x280, s14;
	s16 =	simm.s32 @!p0 $0x8400;
	[tilespmem:v61+s23+$0x0] =	vst.idx.msk $0xffff, v5  }
0xff: {  	[tilespmem:s16], [sflag:$0x3] =	stream.indirect.gather @!p0 [hbm4b:s4+s10], $0x40, s5, s10, $0xb8;
	[tilespmem:$0x16C00] =	vst v63  }
0x100: {  	s19 =	simm.s32 $0x10600;
	s10 =	sadd.s32 s15, s7  }
0x101: {  	[hbm4b:s10+s3] =	stream.linear.scatter [tilespmem:s19], [sflag:$0x7], $0x80, $0x38;
	[tilespmem:$0x16C00] =	vst v63  }
0x102: {  	s16 =	simm.s32 $0x10688;
	s17 =	sadd.s32 $0x10, s10  }
0x103: {  	[hbm4b:s17+s3] =	stream.linear.scatter [tilespmem:s16], [sflag:$0x7], $0x80, $0x38;
	[tilespmem:$0x16C00] =	vst v63  }
0x104: {  	s18 =	simm.s32 $0x10710;
	s19 =	sadd.s32 $0x20, s10  }
0x105: {  	[hbm4b:s19+s3] =	stream.linear.scatter [tilespmem:s18], [sflag:$0x7], $0x80, $0x38;
	[tilespmem:$0x16C00] =	vst v63  }
0x106: {  	s16 =	simm.s32 $0x10798;
	s17 =	sadd.s32 $0x30, s10  }
0x107: {  	[hbm4b:s17+s3] =	stream.linear.scatter [tilespmem:s16], [sflag:$0x7], $0x80, $0x38;
	[tilespmem:$0x16C00] =	vst v63  }
0x108: {  	s18 =	simm.s32 $0x10820;
	s19 =	sadd.s32 $0x40, s10  }
0x109: {  	[hbm4b:s19+s3] =	stream.linear.scatter [tilespmem:s18], [sflag:$0x7], $0x80, $0x38;
	[tilespmem:$0x16C00] =	vst v63  }
0x10a: {  	s5 =	sadd.s32 $0x70, s10;
	s16 =	simm.s32 $0x108A8;
	s17 =	sadd.s32 $0x50, s10  }
0x10b: {  	[hbm4b:s17+s3] =	stream.linear.scatter [tilespmem:s16], [sflag:$0x7], $0x80, $0x38;
	[tilespmem:$0x16C00] =	vst v63  }
0x10c: {  	s18 =	simm.s32 $0x10930;
	s19 =	sadd.s32 $0x60, s10;
	s16 =	simm.s32 $0x440  }
0x10d: {  	[hbm4b:s19+s3] =	stream.linear.scatter [tilespmem:s18], [sflag:$0x7], $0x80, $0x38;
	[tilespmem:$0x16C00] =	vst v63  }
0x10e: {  	s17 =	sadd.s32 $0x1000, s10;
	s18 =	simm.s32 $0x2200;
	s19 =	simm.s32 $0x109B8  }
.LBB2_9:
0x10f: {  	[hbm4b:s5+s3] =	stream.linear.scatter [tilespmem:s19], [sflag:$0x7], $0x80, $0x38;
	[tilespmem:$0x16C00] =	vst v63  }
0x110: {  	s5 =	smov.u32 s16;
	s10 =	smov.u32 s18  }
0x111: {  	s16 =	sshra.s32 s10, $0x2;
	s10 =	sadd.s32 $0x1100, s18;
	s19 =	sadd.s32 $0x10600, s5  }
0x112: {  	[hbm4b:s17+s3] =	stream.linear.scatter [tilespmem:s19], [sflag:$0x7], $0x80, $0x38;
	[tilespmem:$0x16C00] =	vst v63  }
0x113: {  	p2 =	sne.s32 s18, $0x7700;
	s18 =	sadd.s32 $0x10688, s5;
	s19 =	sadd.s32 $0x10, s17  }
0x114: {  	[hbm4b:s19+s3] =	stream.linear.scatter [tilespmem:s18], [sflag:$0x7], $0x80, $0x38;
	[tilespmem:$0x16C00] =	vst v63  }
0x115: {  	s18 =	sadd.s32 $0x10710, s5;
	s19 =	sadd.s32 $0x20, s17  }
0x116: {  	[hbm4b:s19+s3] =	stream.linear.scatter [tilespmem:s18], [sflag:$0x7], $0x80, $0x38;
	[tilespmem:$0x16C00] =	vst v63  }
0x117: {  	s18 =	sadd.s32 $0x10798, s5;
	s19 =	sadd.s32 $0x30, s17  }
0x118: {  	[hbm4b:s19+s3] =	stream.linear.scatter [tilespmem:s18], [sflag:$0x7], $0x80, $0x38;
	[tilespmem:$0x16C00] =	vst v63  }
0x119: {  	s18 =	sadd.s32 $0x10820, s5;
	s19 =	sadd.s32 $0x40, s17  }
0x11a: {  	[hbm4b:s19+s3] =	stream.linear.scatter [tilespmem:s18], [sflag:$0x7], $0x80, $0x38;
	[tilespmem:$0x16C00] =	vst v63  }
0x11b: {  	s18 =	sadd.s32 $0x108A8, s5;
	s19 =	sadd.s32 $0x50, s17  }
0x11c: {  	[hbm4b:s19+s3] =	stream.linear.scatter [tilespmem:s18], [sflag:$0x7], $0x80, $0x38;
	[tilespmem:$0x16C00] =	vst v63  }
.Ltmp3:
0x11d: {  	_ = 	snop;
	(pc) =	sbr.rel @p2 .LBB2_9-.Ltmp3, $4  }
0x11e: {  	s18 =	sadd.s32 $0x10930, s5;
	s19 =	sadd.s32 $0x60, s17  }
0x11f: {  	[hbm4b:s19+s3] =	stream.linear.scatter [tilespmem:s18], [sflag:$0x7], $0x80, $0x38;
	[tilespmem:$0x16C00] =	vst v63  }
0x120: {  	s19 =	sadd.s32 $0x109B8, s5  }
0x121: {  	s5 =	sadd.s32 $0x70, s17;
	s17 =	sadd.s32 $0x1000, s17;
	s18 =	smov.u32 s10  }
0x122: {  	[hbm4b:s5+s3] =	stream.linear.scatter [tilespmem:s19], [sflag:$0x7], $0x80, $0x38;
	[tilespmem:$0x16C00] =	vst v63  }
0x123: {  	s18 =	sadd.s32 $0x10600, s16  }
0x124: {  	[hbm4b:s17+s3] =	stream.linear.scatter [tilespmem:s18], [sflag:$0x7], $0x80, $0x38;
	[tilespmem:$0x16C00] =	vst v63  }
0x125: {  	s19 =	sadd.s32 $0x10688, s16;
	s10 =	sadd.s32 $0x10, s17  }
0x126: {  	[hbm4b:s10+s3] =	stream.linear.scatter [tilespmem:s19], [sflag:$0x7], $0x80, $0x38;
	[tilespmem:$0x16C00] =	vst v63  }
0x127: {  	s18 =	sadd.s32 $0x10710, s16;
	s19 =	sadd.s32 $0x20, s17  }
0x128: {  	[hbm4b:s19+s3] =	stream.linear.scatter [tilespmem:s18], [sflag:$0x7], $0x80, $0x38;
	[tilespmem:$0x16C00] =	vst v63  }
0x129: {  	s18 =	sadd.s32 $0x10798, s16;
	s19 =	sadd.s32 $0x30, s17  }
0x12a: {  	[hbm4b:s19+s3] =	stream.linear.scatter [tilespmem:s18], [sflag:$0x7], $0x80, $0x38;
	[tilespmem:$0x16C00] =	vst v63  }
0x12b: {  	s18 =	sadd.s32 $0x10820, s16;
	s19 =	sadd.s32 $0x40, s17  }
0x12c: {  	[hbm4b:s19+s3] =	stream.linear.scatter [tilespmem:s18], [sflag:$0x7], $0x80, $0x38;
	[tilespmem:$0x16C00] =	vst v63  }
0x12d: {  	s18 =	sadd.s32 $0x108A8, s16;
	s19 =	sadd.s32 $0x50, s17  }
0x12e: {  	[hbm4b:s19+s3] =	stream.linear.scatter [tilespmem:s18], [sflag:$0x7], $0x80, $0x38;
	[tilespmem:$0x16C00] =	vst v63  }
0x12f: {  	s18 =	sadd.s32 $0x10930, s16;
	s19 =	sadd.s32 $0x60, s17  }
0x130: {  	[hbm4b:s19+s3] =	stream.linear.scatter [tilespmem:s18], [sflag:$0x7], $0x80, $0x38;
	[tilespmem:$0x16C00] =	vst v63  }
0x131: {  	s10 =	sadd.s32 $0x109B8, s16;
	s16 =	sadd.s32 $0x70, s17  }
0x132: {  	[hbm4b:s16+s3] =	stream.linear.scatter [tilespmem:s10], [sflag:$0x7], $0x80, $0x38;
	[tilespmem:$0x16C00] =	vst v63  }
0x133: {  	_ =	swait.ge [sflag:s24], $0x2000  }
0x134: {  	[sflag:s24] =	ssyncset.done $0x0  }
0x135: {  	s5 =	simm.s32 @!p1 $0x8;
	[sflag:s24] =	ssyncadd.s32 $0xFFFFE000  }
0x136: {  	_ =	swait.ge @!p1 [sflag:s5], $0x2000  }
0x137: {  	[sflag:s5] =	ssyncset.done @!p1 $0x0  }
0x138: {  	s17 =	simm.s32 $0x3;
	s19 =	simm.s32 $0xA480;
	[sflag:s5] =	ssyncadd.s32 @!p1 $0xFFFFE000  }
0x139: {  	v4 =	vmov s17;
	v5 =	vld [tilespmem:s19+$0x40]  }
0x13a: {  	v9 =	vand.u32 $0x7F, v4  }
0x13b: {  	s18 =	simm.s32 $0x0;
	v4 =	vadd.s32 v0, v9  }
0x13c: {  	v6 =	vmov s18;
	s10 =	simm.s32 $0x1;
	s16 =	simm.s32 $0x2;
	v7 =	vld [tilespmem:s19+$0xFFFFFF80]  }
0x13d: {  	v8 =	vand.u32 $0x7C, v6;
	v6 =	vmov s10;
	v11 =	vmov s16;
	v10 =	vld [tilespmem:s19+$0xFFFFFFC0]  }
0x13e: {  	v12 =	vadd.s32 v0, v8;
	v15 =	vand.u32 $0x7D, v6;
	v6 =	vld [tilespmem:s19+$0x0];
	v5 =	vmul.f32 $8.000000000e+00, v5  }
0x13f: {  	v17 =	vand.u32 $0x7E, v11;
	v13 =	vadd.s32 v0, v15  }
0x140: {  	v11 =	vadd.s32 v0, v17;
	[tilespmem:v4+s25+$0x0] =	vst.idx.msk $0xffff, v5  }
0x141: {  	v4 =	vmul.f32 $8.000000000e+00, v7;
	v5 =	vld [tilespmem:s19+$0x50]  }
0x142: {  	v7 =	vmul.f32 $8.000000000e+00, v10  }
0x143: {  	[tilespmem:v12+s25+$0x0] =	vst.idx.msk $0xffff, v4;
	v4 =	vmul.f32 $8.000000000e+00, v6;
	v6 =	vadd.s32 v1, v9  }
0x144: {  	[tilespmem:v13+s25+$0x0] =	vst.idx.msk $0xffff, v7;
	v10 =	vld [tilespmem:s19+$0xFFFFFF90]  }
0x145: {  	v7 =	vld [tilespmem:s19+$0xFFFFFFD0];
	[tilespmem:v11+s25+$0x0] =	vst.idx.msk $0xffff, v4  }
0x146: {  	v11 =	vld [tilespmem:s19+$0x10];
	v4 =	vmul.f32 $8.000000000e+00, v5  }
0x147: {  	s17 =	simm.s32 $0x4;
	s18 =	simm.s32 $0x7;
	s16 =	simm.s32 $0xA580;
	v12 =	vadd.s32 v1, v15  }
0x148: {  	v14 =	vld [tilespmem:s16+$0x40];
	v13 =	vadd.s32 v1, v17;
	v5 =	vmov s17;
	[tilespmem:v6+s25+$0x0] =	vst.idx.msk $0xffff, v4;
	v6 =	vmov s18  }
0x149: {  	v16 =	vadd.s32 v1, v8;
	v4 =	vand.u32 $0x7C, v5;
	v5 =	vand.u32 $0x7F, v6;
	v18 =	vld [tilespmem:s19+$0x60]  }
0x14a: {  	v22 =	vadd.s32 v2, v9;
	v19 =	vld [tilespmem:s16+$0xFFFFFF80];
	s17 =	simm.s32 $0x5;
	v6 =	vmul.f32 $8.000000000e+00, v7;
	v20 =	vadd.s32 v0, v5  }
0x14b: {  	v21 =	vld [tilespmem:s16+$0xFFFFFFC0];
	v10 =	vmul.f32 $8.000000000e+00, v10;
	s18 =	simm.s32 $0x6;
	v7 =	vmul.f32 $8.000000000e+00, v11;
	v11 =	vmov s17  }
0x14c: {  	v23 =	vadd.s32 v0, v4;
	[tilespmem:v12+s25+$0x0] =	vst.idx.msk $0xffff, v6;
	v12 =	vmov s18;
	v6 =	vand.u32 $0x7D, v11;
	v11 =	vld [tilespmem:s16+$0x0]  }
0x14d: {  	[tilespmem:v13+s25+$0x0] =	vst.idx.msk $0xffff, v7;
	v13 =	vadd.s32 v0, v6;
	v7 =	vand.u32 $0x7E, v12;
	v12 =	vmul.f32 $8.000000000e+00, v14;
	v14 =	vld [tilespmem:s19+$0xFFFFFFE0]  }
0x14e: {  	[tilespmem:v16+s25+$0x0] =	vst.idx.msk $0xffff, v10;
	v10 =	vadd.s32 v0, v7;
	v16 =	vld [tilespmem:s19+$0x20];
	v18 =	vmul.f32 $8.000000000e+00, v18  }
0x14f: {  	v19 =	vmul.f32 $8.000000000e+00, v19;
	[tilespmem:v20+s25+$0x0] =	vst.idx.msk $0xffff, v12;
	v12 =	vld [tilespmem:s19+$0xFFFFFFA0];
	v20 =	vadd.s32 v2, v15  }
0x150: {  	v25 =	vadd.s32 v2, v17;
	v21 =	vmul.f32 $8.000000000e+00, v21;
	v24 =	vld [tilespmem:s16+$0x50];
	[tilespmem:v22+s25+$0x0] =	vst.idx.msk $0xffff, v18  }
0x151: {  	[tilespmem:v23+s25+$0x0] =	vst.idx.msk $0xffff, v19;
	v19 =	vadd.s32 v2, v8;
	v11 =	vmul.f32 $8.000000000e+00, v11;
	v22 =	vld [tilespmem:s19+$0x70]  }
0x152: {  	v23 =	vld [tilespmem:s16+$0xFFFFFF90];
	[tilespmem:v13+s25+$0x0] =	vst.idx.msk $0xffff, v21;
	v21 =	vadd.s32 v1, v5;
	v14 =	vmul.f32 $8.000000000e+00, v14  }
0x153: {  	v27 =	vadd.s32 v3, v9;
	v26 =	vld [tilespmem:s16+$0xFFFFFFD0];
	[tilespmem:v10+s25+$0x0] =	vst.idx.msk $0xffff, v11;
	v10 =	vmul.f32 $8.000000000e+00, v16  }
0x154: {  	v18 =	vadd.s32 v1, v4;
	v13 =	vld [tilespmem:s16+$0x10];
	v9 =	vmul.f32 $8.000000000e+00, v12;
	[tilespmem:v20+s25+$0x0] =	vst.idx.msk $0xffff, v14  }
0x155: {  	s18 =	simm.s32 $0x8;
	v16 =	vadd.s32 v1, v6;
	[tilespmem:v25+s25+$0x0] =	vst.idx.msk $0xffff, v10;
	v14 =	vmul.f32 $8.000000000e+00, v24;
	v12 =	vld [tilespmem:s19+$0xFFFFFFF0]  }
0x156: {  	v20 =	vmov s18;
	v10 =	vadd.s32 v1, v7;
	v11 =	vld [tilespmem:s19+$0x30];
	[tilespmem:v19+s25+$0x0] =	vst.idx.msk $0xffff, v9;
	v63 =	vmul.f32 $8.000000000e+00, v22  }
0x157: {  	s10 =	simm.s32 $0xB;
	s17 =	simm.s32 $0xA680;
	v15 =	vadd.s32 v3, v15;
	v9 =	vand.u32 $0x7C, v20;
	v20 =	vmul.f32 $8.000000000e+00, v23;
	[tilespmem:v21+s25+$0x0] =	vst.idx.msk $0xffff, v14;
	v14 =	vld [tilespmem:s19+$0xFFFFFFB0]  }
0x158: {  	v17 =	vadd.s32 v3, v17;
	v22 =	vmov s10;
	v19 =	vld [tilespmem:s17+$0x40];
	s19 =	simm.s32 $0xC;
	v21 =	vmul.f32 $8.000000000e+00, v26;
	[tilespmem:v27+s25+$0x0] =	vst.idx.msk $0xffff, v63  }
.LBB2_11:
0x159: {  	p2 =	slt.u32 s19, $0x7C;
	s5 =	sadd.s32 $0x1, s18;
	v22 =	vand.u32 $0x7F, v22;
	[tilespmem:v18+s25+$0x0] =	vst.idx.msk $0xffff, v20;
	v13 =	vmul.f32 $8.000000000e+00, v13;
	v18 =	vld [tilespmem:s16+$0x60];
	v20 =	vadd.s32 v3, v8;
	v8 =	vmovc v4  }
0x15a: {  	v4 =	vmovc v9;
	v23 =	vld [tilespmem:s17+$0xFFFFFF80];
	v24 =	vmov s5;
	s5 =	sadd.s32 $0x2, s18;
	v25 =	vadd.s32 v0, v22;
	[tilespmem:v16+s25+$0x0] =	vst.idx.msk $0xffff, v21;
	v12 =	vmul.f32 $8.000000000e+00, v12;
	s18 =	smov.u32 s19  }
0x15b: {  	v9 =	vld [tilespmem:s17+$0xFFFFFFC0];
	v16 =	vmov s5;
	[tilespmem:v10+s25+$0x0] =	vst.idx.msk $0xffff, v13;
	v10 =	vadd.s32 v2, v5;
	v11 =	vmul.f32 $8.000000000e+00, v11  }
0x15c: {  	v13 =	vadd.s32 v0, v4;
	v21 =	vand.u32 $0x7D, v24;
	v24 =	vld [tilespmem:s17+$0x0];
	v14 =	vmul.f32 $8.000000000e+00, v14;
	[tilespmem:v15+s25+$0x0] =	vst.idx.msk $0xffff, v12  }
0x15d: {  	v12 =	vadd.s32 v0, v21;
	v26 =	vand.u32 $0x7E, v16;
	v15 =	vmul.f32 $8.000000000e+00, v19;
	v16 =	vld [tilespmem:s16+$0xFFFFFFE0];
	[tilespmem:v17+s25+$0x0] =	vst.idx.msk $0xffff, v11  }
0x15e: {  	v11 =	vadd.s32 v0, v26;
	v17 =	vld [tilespmem:s16+$0x20];
	v18 =	vmul.f32 $8.000000000e+00, v18;
	[tilespmem:v20+s25+$0x0] =	vst.idx.msk $0xffff, v14  }
0x15f: {  	v19 =	vadd.s32 v2, v6;
	v14 =	vmul.f32 $8.000000000e+00, v23;
	[tilespmem:v25+s25+$0x0] =	vst.idx.msk $0xffff, v15;
	v15 =	vld [tilespmem:s16+$0xFFFFFFA0]  }
0x160: {  	v23 =	vadd.s32 v2, v7;
	v9 =	vmul.f32 $8.000000000e+00, v9;
	v20 =	vld [tilespmem:s17+$0x50];
	[tilespmem:v10+s25+$0x0] =	vst.idx.msk $0xffff, v18  }
0x161: {  	[tilespmem:v13+s25+$0x0] =	vst.idx.msk $0xffff, v14;
	v10 =	vmul.f32 $8.000000000e+00, v24;
	v14 =	vadd.s32 v2, v8;
	v24 =	vld [tilespmem:s16+$0x70]  }
0x162: {  	v27 =	vadd.s32 v1, v22;
	v25 =	vld [tilespmem:s17+$0xFFFFFF90];
	[tilespmem:v12+s25+$0x0] =	vst.idx.msk $0xffff, v9;
	v9 =	vmul.f32 $8.000000000e+00, v16  }
0x163: {  	v29 =	vadd.s32 v3, v5;
	v5 =	vmov v22;
	v28 =	vld [tilespmem:s17+$0xFFFFFFD0];
	[tilespmem:v11+s25+$0x0] =	vst.idx.msk $0xffff, v10;
	v10 =	vmul.f32 $8.000000000e+00, v17  }
.Ltmp4:
0x164: {  	v18 =	vadd.s32 v1, v4;
	v13 =	vld [tilespmem:s17+$0x10];
	v11 =	vmul.f32 $8.000000000e+00, v15;
	[tilespmem:v19+s25+$0x0] =	vst.idx.msk $0xffff, v9;
	(pc) =	sbr.rel @p2 .LBB2_11-.Ltmp4, $4  }
0x165: {  	v16 =	vadd.s32 v1, v21;
	v15 =	vmul.f32 $8.000000000e+00, v20;
	v12 =	vld [tilespmem:s16+$0xFFFFFFF0];
	[tilespmem:v23+s25+$0x0] =	vst.idx.msk $0xffff, v10  }
0x166: {  	v9 =	vmov s19;
	v10 =	vadd.s32 v1, v26;
	[tilespmem:v14+s25+$0x0] =	vst.idx.msk $0xffff, v11;
	v11 =	vld [tilespmem:s16+$0x30];
	v23 =	vmul.f32 $8.000000000e+00, v24  }
0x167: {  	s5 =	sadd.s32 $0x3, s19;
	v9 =	vand.u32 $0x7C, v9;
	v20 =	vmul.f32 $8.000000000e+00, v25;
	[tilespmem:v27+s25+$0x0] =	vst.idx.msk $0xffff, v15;
	v14 =	vld [tilespmem:s16+$0xFFFFFFB0];
	v15 =	vadd.s32 v3, v6;
	v6 =	vmovc v21;
	s16 =	smov.u32 s17;
	s17 =	sadd.s32 $0x100, s17  }
0x168: {  	v22 =	vmov s5;
	v17 =	vadd.s32 v3, v7;
	v7 =	vmovc v26;
	s19 =	sadd.s32 $0x4, s19;
	v19 =	vld [tilespmem:s17+$0x40];
	v21 =	vmul.f32 $8.000000000e+00, v28;
	[tilespmem:v29+s25+$0x0] =	vst.idx.msk $0xffff, v23  }
0x169: {  	s5 =	sadd.s32 $0x1, s18;
	v22 =	vand.u32 $0x7F, v22;
	v28 =	vld [tilespmem:s17+$0xFFFFFF80]  }
0x16a: {  	s18 =	sadd.s32 $0x2, s18;
	v24 =	vld [tilespmem:s17+$0xFFFFFFC0];
	v23 =	vmov s5;
	v25 =	vadd.s32 v0, v22  }
0x16b: {  	v27 =	vld [tilespmem:s17+$0x0];
	v51 =	vadd.s32 v0, v9;
	v26 =	vmov s18;
	v23 =	vand.u32 $0x7D, v23  }
0x16c: {  	v26 =	vand.u32 $0x7E, v26;
	v29 =	vadd.s32 v0, v23  }
0x16d: {  	[tilespmem:v18+s25+$0x0] =	vst.idx.msk $0xffff, v20;
	v30 =	vadd.s32 v0, v26;
	v19 =	vmul.f32 $8.000000000e+00, v19  }
0x16e: {  	[tilespmem:v16+s25+$0x0] =	vst.idx.msk $0xffff, v21;
	v54 =	vmul.f32 $8.000000000e+00, v28  }
0x16f: {  	v52 =	vmul.f32 $8.000000000e+00, v24;
	[tilespmem:v25+s25+$0x0] =	vst.idx.msk $0xffff, v19  }
0x170: {  	v53 =	vmul.f32 $8.000000000e+00, v27;
	v55 =	vld [tilespmem:s17+$0x50];
	[tilespmem:v51+s25+$0x0] =	vst.idx.msk $0xffff, v54  }
0x171: {  	v13 =	vmul.f32 $8.000000000e+00, v13;
	v8 =	vadd.s32 v3, v8;
	[tilespmem:v29+s25+$0x0] =	vst.idx.msk $0xffff, v52;
	v59 =	vld [tilespmem:s17+$0xFFFFFF90]  }
0x172: {  	v12 =	vmul.f32 $8.000000000e+00, v12;
	v57 =	vadd.s32 v1, v22;
	[tilespmem:v30+s25+$0x0] =	vst.idx.msk $0xffff, v53;
	v56 =	vld [tilespmem:s17+$0xFFFFFFD0]  }
0x173: {  	[tilespmem:v10+s25+$0x0] =	vst.idx.msk $0xffff, v13;
	v58 =	vmul.f32 $8.000000000e+00, v11;
	v28 =	vadd.s32 v1, v9;
	v19 =	vld [tilespmem:s17+$0x10]  }
0x174: {  	v61 =	vld [tilespmem:s16+$0x60];
	v60 =	vadd.s32 v1, v23;
	v14 =	vmul.f32 $8.000000000e+00, v14;
	[tilespmem:v15+s25+$0x0] =	vst.idx.msk $0xffff, v12  }
0x175: {  	v32 =	vld [tilespmem:s16+$0xFFFFFFA0];
	v62 =	vadd.s32 v1, v26;
	[tilespmem:v17+s25+$0x0] =	vst.idx.msk $0xffff, v58;
	v16 =	vmul.f32 $8.000000000e+00, v55  }
0x176: {  	[tilespmem:v8+s25+$0x0] =	vst.idx.msk $0xffff, v14;
	v29 =	vadd.s32 v2, v5;
	v30 =	vld [tilespmem:s16+$0x20];
	v11 =	vmul.f32 $8.000000000e+00, v59  }
0x177: {  	v38 =	vadd.s32 v2, v4;
	v63 =	vld [tilespmem:s16+$0xFFFFFFE0];
	v31 =	vmul.f32 $8.000000000e+00, v56;
	[tilespmem:v57+s25+$0x0] =	vst.idx.msk $0xffff, v16  }
0x178: {  	v35 =	vadd.s32 v2, v7;
	v34 =	vmul.f32 $8.000000000e+00, v19;
	v36 =	vld [tilespmem:s17+$0x60];
	[tilespmem:v28+s25+$0x0] =	vst.idx.msk $0xffff, v11  }
0x179: {  	v33 =	vadd.s32 v2, v6;
	v37 =	vmul.f32 $8.000000000e+00, v61;
	[tilespmem:v60+s25+$0x0] =	vst.idx.msk $0xffff, v31;
	v43 =	vld [tilespmem:s17+$0xFFFFFFA0]  }
0x17a: {  	v40 =	vadd.s32 v2, v22;
	v14 =	vmul.f32 $8.000000000e+00, v32;
	[tilespmem:v62+s25+$0x0] =	vst.idx.msk $0xffff, v34;
	v39 =	vld [tilespmem:s17+$0xFFFFFFE0]  }
0x17b: {  	v48 =	vadd.s32 v2, v9;
	[tilespmem:v29+s25+$0x0] =	vst.idx.msk $0xffff, v37;
	v42 =	vmul.f32 $8.000000000e+00, v30;
	v41 =	vld [tilespmem:s17+$0x20]  }
0x17c: {  	v44 =	vadd.s32 v2, v23;
	v15 =	vmul.f32 $8.000000000e+00, v63;
	[tilespmem:v38+s25+$0x0] =	vst.idx.msk $0xffff, v14;
	v45 =	vld [tilespmem:s16+$0x70]  }
0x17d: {  	v46 =	vadd.s32 v2, v26;
	v14 =	vld [tilespmem:s16+$0xFFFFFFB0];
	[tilespmem:v35+s25+$0x0] =	vst.idx.msk $0xffff, v42;
	v47 =	vmul.f32 $8.000000000e+00, v36  }
0x17e: {  	v5 =	vadd.s32 v3, v5;
	[tilespmem:v33+s25+$0x0] =	vst.idx.msk $0xffff, v15;
	v49 =	vld [tilespmem:s16+$0x30];
	v53 =	vmul.f32 $8.000000000e+00, v43  }
0x17f: {  	v4 =	vadd.s32 v3, v4;
	v21 =	vld [tilespmem:s16+$0xFFFFFFF0];
	v12 =	vmul.f32 $8.000000000e+00, v39;
	[tilespmem:v40+s25+$0x0] =	vst.idx.msk $0xffff, v47  }
0x180: {  	v52 =	vadd.s32 v3, v7;
	v51 =	vmul.f32 $8.000000000e+00, v41;
	v10 =	vld [tilespmem:s17+$0x70];
	[tilespmem:v48+s25+$0x0] =	vst.idx.msk $0xffff, v53  }
0x181: {  	v50 =	vadd.s32 v3, v6;
	v54 =	vmul.f32 $8.000000000e+00, v45;
	[tilespmem:v44+s25+$0x0] =	vst.idx.msk $0xffff, v12;
	v59 =	vld [tilespmem:s17+$0xFFFFFFB0]  }
0x182: {  	v57 =	vadd.s32 v3, v22;
	v14 =	vmul.f32 $8.000000000e+00, v14;
	[tilespmem:v46+s25+$0x0] =	vst.idx.msk $0xffff, v51;
	v55 =	vld [tilespmem:s17+$0xFFFFFFF0]  }
0x183: {  	v62 =	vadd.s32 v3, v9;
	[tilespmem:v5+s25+$0x0] =	vst.idx.msk $0xffff, v54;
	v5 =	vmul.f32 $8.000000000e+00, v49;
	v58 =	vld [tilespmem:s17+$0x30]  }
0x184: {  	v56 =	vmul.f32 $8.000000000e+00, v21;
	v60 =	vadd.s32 v3, v23;
	[tilespmem:v4+s25+$0x0] =	vst.idx.msk $0xffff, v14  }
0x185: {  	v61 =	vadd.s32 v3, v26;
	[tilespmem:v52+s25+$0x0] =	vst.idx.msk $0xffff, v5;
	v5 =	vmul.f32 $8.000000000e+00, v10  }
0x186: {  	[tilespmem:v50+s25+$0x0] =	vst.idx.msk $0xffff, v56;
	v63 =	vmul.f32 $8.000000000e+00, v59  }
0x187: {  	v4 =	vmul.f32 $8.000000000e+00, v55;
	[tilespmem:v57+s25+$0x0] =	vst.idx.msk $0xffff, v5  }
0x188: {  	v5 =	vmul.f32 $8.000000000e+00, v58;
	[tilespmem:v62+s25+$0x0] =	vst.idx.msk $0xffff, v63  }
0x189: {  	[tilespmem:v60+s25+$0x0] =	vst.idx.msk $0xffff, v4  }
0x18a: {  	s10 =	simm.s32 @!p0 $0x80;
	s5 =	sadd.s32 @!p0 $0x300, s14;
	s16 =	simm.s32 @!p0 $0xA400;
	[tilespmem:v61+s25+$0x0] =	vst.idx.msk $0xffff, v5  }
0x18b: {  	[tilespmem:s16], [sflag:$0x4] =	stream.indirect.gather @!p0 [hbm4b:s4+s10], $0x40, s5, s10, $0xb8;
	[tilespmem:$0x16C00] =	vst v63  }
0x18c: {  	s19 =	simm.s32 $0x12800;
	s10 =	sadd.s32 s15, s8  }
0x18d: {  	[hbm4b:s10+s3] =	stream.linear.scatter [tilespmem:s19], [sflag:$0x8], $0x80, $0x38;
	[tilespmem:$0x16C00] =	vst v63  }
0x18e: {  	s16 =	simm.s32 $0x12888;
	s17 =	sadd.s32 $0x10, s10  }
0x18f: {  	[hbm4b:s17+s3] =	stream.linear.scatter [tilespmem:s16], [sflag:$0x8], $0x80, $0x38;
	[tilespmem:$0x16C00] =	vst v63  }
0x190: {  	s18 =	simm.s32 $0x12910;
	s19 =	sadd.s32 $0x20, s10  }
0x191: {  	[hbm4b:s19+s3] =	stream.linear.scatter [tilespmem:s18], [sflag:$0x8], $0x80, $0x38;
	[tilespmem:$0x16C00] =	vst v63  }
0x192: {  	s16 =	simm.s32 $0x12998;
	s17 =	sadd.s32 $0x30, s10  }
0x193: {  	[hbm4b:s17+s3] =	stream.linear.scatter [tilespmem:s16], [sflag:$0x8], $0x80, $0x38;
	[tilespmem:$0x16C00] =	vst v63  }
0x194: {  	s18 =	simm.s32 $0x12A20;
	s19 =	sadd.s32 $0x40, s10  }
0x195: {  	[hbm4b:s19+s3] =	stream.linear.scatter [tilespmem:s18], [sflag:$0x8], $0x80, $0x38;
	[tilespmem:$0x16C00] =	vst v63  }
0x196: {  	s5 =	sadd.s32 $0x70, s10;
	s16 =	simm.s32 $0x12AA8;
	s17 =	sadd.s32 $0x50, s10  }
0x197: {  	[hbm4b:s17+s3] =	stream.linear.scatter [tilespmem:s16], [sflag:$0x8], $0x80, $0x38;
	[tilespmem:$0x16C00] =	vst v63  }
0x198: {  	s18 =	simm.s32 $0x12B30;
	s19 =	sadd.s32 $0x60, s10;
	s16 =	simm.s32 $0x440  }
0x199: {  	[hbm4b:s19+s3] =	stream.linear.scatter [tilespmem:s18], [sflag:$0x8], $0x80, $0x38;
	[tilespmem:$0x16C00] =	vst v63  }
0x19a: {  	s17 =	sadd.s32 $0x1000, s10;
	s18 =	simm.s32 $0x2200;
	s19 =	simm.s32 $0x12BB8  }
.LBB2_13:
0x19b: {  	[hbm4b:s5+s3] =	stream.linear.scatter [tilespmem:s19], [sflag:$0x8], $0x80, $0x38;
	[tilespmem:$0x16C00] =	vst v63  }
0x19c: {  	s5 =	smov.u32 s16;
	s10 =	smov.u32 s18  }
0x19d: {  	s16 =	sshra.s32 s10, $0x2;
	s10 =	sadd.s32 $0x1100, s18;
	s19 =	sadd.s32 $0x12800, s5  }
0x19e: {  	[hbm4b:s17+s3] =	stream.linear.scatter [tilespmem:s19], [sflag:$0x8], $0x80, $0x38;
	[tilespmem:$0x16C00] =	vst v63  }
0x19f: {  	p2 =	sne.s32 s18, $0x7700;
	s18 =	sadd.s32 $0x12888, s5;
	s19 =	sadd.s32 $0x10, s17  }
0x1a0: {  	[hbm4b:s19+s3] =	stream.linear.scatter [tilespmem:s18], [sflag:$0x8], $0x80, $0x38;
	[tilespmem:$0x16C00] =	vst v63  }
0x1a1: {  	s18 =	sadd.s32 $0x12910, s5;
	s19 =	sadd.s32 $0x20, s17  }
0x1a2: {  	[hbm4b:s19+s3] =	stream.linear.scatter [tilespmem:s18], [sflag:$0x8], $0x80, $0x38;
	[tilespmem:$0x16C00] =	vst v63  }
0x1a3: {  	s18 =	sadd.s32 $0x12998, s5;
	s19 =	sadd.s32 $0x30, s17  }
0x1a4: {  	[hbm4b:s19+s3] =	stream.linear.scatter [tilespmem:s18], [sflag:$0x8], $0x80, $0x38;
	[tilespmem:$0x16C00] =	vst v63  }
0x1a5: {  	s18 =	sadd.s32 $0x12A20, s5;
	s19 =	sadd.s32 $0x40, s17  }
0x1a6: {  	[hbm4b:s19+s3] =	stream.linear.scatter [tilespmem:s18], [sflag:$0x8], $0x80, $0x38;
	[tilespmem:$0x16C00] =	vst v63  }
0x1a7: {  	s18 =	sadd.s32 $0x12AA8, s5;
	s19 =	sadd.s32 $0x50, s17  }
0x1a8: {  	[hbm4b:s19+s3] =	stream.linear.scatter [tilespmem:s18], [sflag:$0x8], $0x80, $0x38;
	[tilespmem:$0x16C00] =	vst v63  }
.Ltmp5:
0x1a9: {  	_ = 	snop;
	(pc) =	sbr.rel @p2 .LBB2_13-.Ltmp5, $4  }
0x1aa: {  	s18 =	sadd.s32 $0x12B30, s5;
	s19 =	sadd.s32 $0x60, s17  }
0x1ab: {  	[hbm4b:s19+s3] =	stream.linear.scatter [tilespmem:s18], [sflag:$0x8], $0x80, $0x38;
	[tilespmem:$0x16C00] =	vst v63  }
0x1ac: {  	s19 =	sadd.s32 $0x12BB8, s5  }
0x1ad: {  	s5 =	sadd.s32 $0x70, s17;
	s17 =	sadd.s32 $0x1000, s17;
	s18 =	smov.u32 s10  }
0x1ae: {  	[hbm4b:s5+s3] =	stream.linear.scatter [tilespmem:s19], [sflag:$0x8], $0x80, $0x38;
	[tilespmem:$0x16C00] =	vst v63  }
0x1af: {  	s18 =	sadd.s32 $0x12800, s16  }
0x1b0: {  	[hbm4b:s17+s3] =	stream.linear.scatter [tilespmem:s18], [sflag:$0x8], $0x80, $0x38;
	[tilespmem:$0x16C00] =	vst v63  }
0x1b1: {  	s19 =	sadd.s32 $0x12888, s16;
	s10 =	sadd.s32 $0x10, s17  }
0x1b2: {  	[hbm4b:s10+s3] =	stream.linear.scatter [tilespmem:s19], [sflag:$0x8], $0x80, $0x38;
	[tilespmem:$0x16C00] =	vst v63  }
0x1b3: {  	s18 =	sadd.s32 $0x12910, s16;
	s19 =	sadd.s32 $0x20, s17  }
0x1b4: {  	[hbm4b:s19+s3] =	stream.linear.scatter [tilespmem:s18], [sflag:$0x8], $0x80, $0x38;
	[tilespmem:$0x16C00] =	vst v63  }
0x1b5: {  	s18 =	sadd.s32 $0x12998, s16;
	s19 =	sadd.s32 $0x30, s17  }
0x1b6: {  	[hbm4b:s19+s3] =	stream.linear.scatter [tilespmem:s18], [sflag:$0x8], $0x80, $0x38;
	[tilespmem:$0x16C00] =	vst v63  }
0x1b7: {  	s18 =	sadd.s32 $0x12A20, s16;
	s19 =	sadd.s32 $0x40, s17  }
0x1b8: {  	[hbm4b:s19+s3] =	stream.linear.scatter [tilespmem:s18], [sflag:$0x8], $0x80, $0x38;
	[tilespmem:$0x16C00] =	vst v63  }
0x1b9: {  	s18 =	sadd.s32 $0x12AA8, s16;
	s19 =	sadd.s32 $0x50, s17  }
0x1ba: {  	[hbm4b:s19+s3] =	stream.linear.scatter [tilespmem:s18], [sflag:$0x8], $0x80, $0x38;
	[tilespmem:$0x16C00] =	vst v63  }
0x1bb: {  	s18 =	sadd.s32 $0x12B30, s16;
	s19 =	sadd.s32 $0x60, s17  }
0x1bc: {  	[hbm4b:s19+s3] =	stream.linear.scatter [tilespmem:s18], [sflag:$0x8], $0x80, $0x38;
	[tilespmem:$0x16C00] =	vst v63  }
0x1bd: {  	s10 =	sadd.s32 $0x12BB8, s16;
	s16 =	sadd.s32 $0x70, s17  }
0x1be: {  	[hbm4b:s16+s3] =	stream.linear.scatter [tilespmem:s10], [sflag:$0x8], $0x80, $0x38;
	[tilespmem:$0x16C00] =	vst v63  }
0x1bf: {  	_ =	swait.ge [sflag:s26], $0x2000  }
0x1c0: {  	[sflag:s26] =	ssyncset.done $0x0  }
0x1c1: {  	s5 =	simm.s32 @!p1 $0x9;
	[sflag:s26] =	ssyncadd.s32 $0xFFFFE000  }
0x1c2: {  	_ =	swait.ge @!p1 [sflag:s5], $0x2000  }
0x1c3: {  	[sflag:s5] =	ssyncset.done @!p1 $0x0  }
0x1c4: {  	s17 =	simm.s32 $0x3;
	s19 =	simm.s32 $0xC480;
	[sflag:s5] =	ssyncadd.s32 @!p1 $0xFFFFE000  }
0x1c5: {  	v4 =	vmov s17;
	v5 =	vld [tilespmem:s19+$0x40]  }
0x1c6: {  	v9 =	vand.u32 $0x7F, v4  }
0x1c7: {  	s18 =	simm.s32 $0x0;
	v4 =	vadd.s32 v0, v9  }
0x1c8: {  	v6 =	vmov s18;
	s10 =	simm.s32 $0x1;
	s16 =	simm.s32 $0x2;
	v7 =	vld [tilespmem:s19+$0xFFFFFF80]  }
0x1c9: {  	v8 =	vand.u32 $0x7C, v6;
	v6 =	vmov s10;
	v11 =	vmov s16;
	v10 =	vld [tilespmem:s19+$0xFFFFFFC0]  }
0x1ca: {  	v12 =	vadd.s32 v0, v8;
	v15 =	vand.u32 $0x7D, v6;
	v6 =	vld [tilespmem:s19+$0x0];
	v5 =	vmul.f32 $8.000000000e+00, v5  }
0x1cb: {  	v17 =	vand.u32 $0x7E, v11;
	v13 =	vadd.s32 v0, v15  }
0x1cc: {  	v11 =	vadd.s32 v0, v17;
	[tilespmem:v4+s28+$0x0] =	vst.idx.msk $0xffff, v5  }
0x1cd: {  	v4 =	vmul.f32 $8.000000000e+00, v7;
	v5 =	vld [tilespmem:s19+$0x50]  }
0x1ce: {  	v7 =	vmul.f32 $8.000000000e+00, v10  }
0x1cf: {  	[tilespmem:v12+s28+$0x0] =	vst.idx.msk $0xffff, v4;
	v4 =	vmul.f32 $8.000000000e+00, v6;
	v6 =	vadd.s32 v1, v9  }
0x1d0: {  	[tilespmem:v13+s28+$0x0] =	vst.idx.msk $0xffff, v7;
	v10 =	vld [tilespmem:s19+$0xFFFFFF90]  }
0x1d1: {  	v7 =	vld [tilespmem:s19+$0xFFFFFFD0];
	[tilespmem:v11+s28+$0x0] =	vst.idx.msk $0xffff, v4  }
0x1d2: {  	v11 =	vld [tilespmem:s19+$0x10];
	v4 =	vmul.f32 $8.000000000e+00, v5  }
0x1d3: {  	s17 =	simm.s32 $0x4;
	s18 =	simm.s32 $0x7;
	s16 =	simm.s32 $0xC580;
	v12 =	vadd.s32 v1, v15  }
0x1d4: {  	v14 =	vld [tilespmem:s16+$0x40];
	v13 =	vadd.s32 v1, v17;
	v5 =	vmov s17;
	[tilespmem:v6+s28+$0x0] =	vst.idx.msk $0xffff, v4;
	v6 =	vmov s18  }
0x1d5: {  	v16 =	vadd.s32 v1, v8;
	v4 =	vand.u32 $0x7C, v5;
	v5 =	vand.u32 $0x7F, v6;
	v18 =	vld [tilespmem:s19+$0x60]  }
0x1d6: {  	v22 =	vadd.s32 v2, v9;
	v19 =	vld [tilespmem:s16+$0xFFFFFF80];
	s17 =	simm.s32 $0x5;
	v6 =	vmul.f32 $8.000000000e+00, v7;
	v20 =	vadd.s32 v0, v5  }
0x1d7: {  	v21 =	vld [tilespmem:s16+$0xFFFFFFC0];
	v10 =	vmul.f32 $8.000000000e+00, v10;
	s18 =	simm.s32 $0x6;
	v7 =	vmul.f32 $8.000000000e+00, v11;
	v11 =	vmov s17  }
0x1d8: {  	v23 =	vadd.s32 v0, v4;
	[tilespmem:v12+s28+$0x0] =	vst.idx.msk $0xffff, v6;
	v12 =	vmov s18;
	v6 =	vand.u32 $0x7D, v11;
	v11 =	vld [tilespmem:s16+$0x0]  }
0x1d9: {  	[tilespmem:v13+s28+$0x0] =	vst.idx.msk $0xffff, v7;
	v13 =	vadd.s32 v0, v6;
	v7 =	vand.u32 $0x7E, v12;
	v12 =	vmul.f32 $8.000000000e+00, v14;
	v14 =	vld [tilespmem:s19+$0xFFFFFFE0]  }
0x1da: {  	[tilespmem:v16+s28+$0x0] =	vst.idx.msk $0xffff, v10;
	v10 =	vadd.s32 v0, v7;
	v16 =	vld [tilespmem:s19+$0x20];
	v18 =	vmul.f32 $8.000000000e+00, v18  }
0x1db: {  	v19 =	vmul.f32 $8.000000000e+00, v19;
	[tilespmem:v20+s28+$0x0] =	vst.idx.msk $0xffff, v12;
	v12 =	vld [tilespmem:s19+$0xFFFFFFA0];
	v20 =	vadd.s32 v2, v15  }
0x1dc: {  	v25 =	vadd.s32 v2, v17;
	v21 =	vmul.f32 $8.000000000e+00, v21;
	v24 =	vld [tilespmem:s16+$0x50];
	[tilespmem:v22+s28+$0x0] =	vst.idx.msk $0xffff, v18  }
0x1dd: {  	[tilespmem:v23+s28+$0x0] =	vst.idx.msk $0xffff, v19;
	v19 =	vadd.s32 v2, v8;
	v11 =	vmul.f32 $8.000000000e+00, v11;
	v22 =	vld [tilespmem:s19+$0x70]  }
0x1de: {  	v23 =	vld [tilespmem:s16+$0xFFFFFF90];
	[tilespmem:v13+s28+$0x0] =	vst.idx.msk $0xffff, v21;
	v21 =	vadd.s32 v1, v5;
	v14 =	vmul.f32 $8.000000000e+00, v14  }
0x1df: {  	v27 =	vadd.s32 v3, v9;
	v26 =	vld [tilespmem:s16+$0xFFFFFFD0];
	[tilespmem:v10+s28+$0x0] =	vst.idx.msk $0xffff, v11;
	v10 =	vmul.f32 $8.000000000e+00, v16  }
0x1e0: {  	v18 =	vadd.s32 v1, v4;
	v13 =	vld [tilespmem:s16+$0x10];
	v9 =	vmul.f32 $8.000000000e+00, v12;
	[tilespmem:v20+s28+$0x0] =	vst.idx.msk $0xffff, v14  }
0x1e1: {  	s18 =	simm.s32 $0x8;
	v16 =	vadd.s32 v1, v6;
	[tilespmem:v25+s28+$0x0] =	vst.idx.msk $0xffff, v10;
	v14 =	vmul.f32 $8.000000000e+00, v24;
	v12 =	vld [tilespmem:s19+$0xFFFFFFF0]  }
0x1e2: {  	v20 =	vmov s18;
	v10 =	vadd.s32 v1, v7;
	v11 =	vld [tilespmem:s19+$0x30];
	[tilespmem:v19+s28+$0x0] =	vst.idx.msk $0xffff, v9;
	v63 =	vmul.f32 $8.000000000e+00, v22  }
0x1e3: {  	s10 =	simm.s32 $0xB;
	s17 =	simm.s32 $0xC680;
	v15 =	vadd.s32 v3, v15;
	v9 =	vand.u32 $0x7C, v20;
	v20 =	vmul.f32 $8.000000000e+00, v23;
	[tilespmem:v21+s28+$0x0] =	vst.idx.msk $0xffff, v14;
	v14 =	vld [tilespmem:s19+$0xFFFFFFB0]  }
0x1e4: {  	v17 =	vadd.s32 v3, v17;
	v22 =	vmov s10;
	v19 =	vld [tilespmem:s17+$0x40];
	s19 =	simm.s32 $0xC;
	v21 =	vmul.f32 $8.000000000e+00, v26;
	[tilespmem:v27+s28+$0x0] =	vst.idx.msk $0xffff, v63  }
.LBB2_15:
0x1e5: {  	p1 =	slt.u32 s19, $0x7C;
	s5 =	sadd.s32 $0x1, s18;
	v22 =	vand.u32 $0x7F, v22;
	[tilespmem:v18+s28+$0x0] =	vst.idx.msk $0xffff, v20;
	v13 =	vmul.f32 $8.000000000e+00, v13;
	v18 =	vld [tilespmem:s16+$0x60];
	v20 =	vadd.s32 v3, v8;
	v8 =	vmovc v4  }
0x1e6: {  	v4 =	vmovc v9;
	v23 =	vld [tilespmem:s17+$0xFFFFFF80];
	v24 =	vmov s5;
	s5 =	sadd.s32 $0x2, s18;
	v25 =	vadd.s32 v0, v22;
	[tilespmem:v16+s28+$0x0] =	vst.idx.msk $0xffff, v21;
	v12 =	vmul.f32 $8.000000000e+00, v12;
	s18 =	smov.u32 s19  }
0x1e7: {  	v9 =	vld [tilespmem:s17+$0xFFFFFFC0];
	v16 =	vmov s5;
	[tilespmem:v10+s28+$0x0] =	vst.idx.msk $0xffff, v13;
	v10 =	vadd.s32 v2, v5;
	v11 =	vmul.f32 $8.000000000e+00, v11  }
0x1e8: {  	v13 =	vadd.s32 v0, v4;
	v21 =	vand.u32 $0x7D, v24;
	v24 =	vld [tilespmem:s17+$0x0];
	v14 =	vmul.f32 $8.000000000e+00, v14;
	[tilespmem:v15+s28+$0x0] =	vst.idx.msk $0xffff, v12  }
0x1e9: {  	v12 =	vadd.s32 v0, v21;
	v26 =	vand.u32 $0x7E, v16;
	v15 =	vmul.f32 $8.000000000e+00, v19;
	v16 =	vld [tilespmem:s16+$0xFFFFFFE0];
	[tilespmem:v17+s28+$0x0] =	vst.idx.msk $0xffff, v11  }
0x1ea: {  	v11 =	vadd.s32 v0, v26;
	v17 =	vld [tilespmem:s16+$0x20];
	v18 =	vmul.f32 $8.000000000e+00, v18;
	[tilespmem:v20+s28+$0x0] =	vst.idx.msk $0xffff, v14  }
0x1eb: {  	v19 =	vadd.s32 v2, v6;
	v14 =	vmul.f32 $8.000000000e+00, v23;
	[tilespmem:v25+s28+$0x0] =	vst.idx.msk $0xffff, v15;
	v15 =	vld [tilespmem:s16+$0xFFFFFFA0]  }
0x1ec: {  	v23 =	vadd.s32 v2, v7;
	v9 =	vmul.f32 $8.000000000e+00, v9;
	v20 =	vld [tilespmem:s17+$0x50];
	[tilespmem:v10+s28+$0x0] =	vst.idx.msk $0xffff, v18  }
0x1ed: {  	[tilespmem:v13+s28+$0x0] =	vst.idx.msk $0xffff, v14;
	v10 =	vmul.f32 $8.000000000e+00, v24;
	v14 =	vadd.s32 v2, v8;
	v24 =	vld [tilespmem:s16+$0x70]  }
0x1ee: {  	v27 =	vadd.s32 v1, v22;
	v25 =	vld [tilespmem:s17+$0xFFFFFF90];
	[tilespmem:v12+s28+$0x0] =	vst.idx.msk $0xffff, v9;
	v9 =	vmul.f32 $8.000000000e+00, v16  }
0x1ef: {  	v29 =	vadd.s32 v3, v5;
	v5 =	vmov v22;
	v28 =	vld [tilespmem:s17+$0xFFFFFFD0];
	[tilespmem:v11+s28+$0x0] =	vst.idx.msk $0xffff, v10;
	v10 =	vmul.f32 $8.000000000e+00, v17  }
.Ltmp6:
0x1f0: {  	v18 =	vadd.s32 v1, v4;
	v13 =	vld [tilespmem:s17+$0x10];
	v11 =	vmul.f32 $8.000000000e+00, v15;
	[tilespmem:v19+s28+$0x0] =	vst.idx.msk $0xffff, v9;
	(pc) =	sbr.rel @p1 .LBB2_15-.Ltmp6, $4  }
0x1f1: {  	v16 =	vadd.s32 v1, v21;
	v15 =	vmul.f32 $8.000000000e+00, v20;
	v12 =	vld [tilespmem:s16+$0xFFFFFFF0];
	[tilespmem:v23+s28+$0x0] =	vst.idx.msk $0xffff, v10  }
0x1f2: {  	v9 =	vmov s19;
	v10 =	vadd.s32 v1, v26;
	[tilespmem:v14+s28+$0x0] =	vst.idx.msk $0xffff, v11;
	v11 =	vld [tilespmem:s16+$0x30];
	v23 =	vmul.f32 $8.000000000e+00, v24  }
0x1f3: {  	s5 =	sadd.s32 $0x3, s19;
	v9 =	vand.u32 $0x7C, v9;
	v20 =	vmul.f32 $8.000000000e+00, v25;
	[tilespmem:v27+s28+$0x0] =	vst.idx.msk $0xffff, v15;
	v14 =	vld [tilespmem:s16+$0xFFFFFFB0];
	v15 =	vadd.s32 v3, v6;
	v6 =	vmovc v21;
	s16 =	smov.u32 s17;
	s17 =	sadd.s32 $0x100, s17  }
0x1f4: {  	v22 =	vmov s5;
	v17 =	vadd.s32 v3, v7;
	v7 =	vmovc v26;
	s19 =	sadd.s32 $0x4, s19;
	v19 =	vld [tilespmem:s17+$0x40];
	v21 =	vmul.f32 $8.000000000e+00, v28;
	[tilespmem:v29+s28+$0x0] =	vst.idx.msk $0xffff, v23  }
0x1f5: {  	s5 =	sadd.s32 $0x1, s18;
	v22 =	vand.u32 $0x7F, v22;
	v28 =	vld [tilespmem:s17+$0xFFFFFF80]  }
0x1f6: {  	s18 =	sadd.s32 $0x2, s18;
	v24 =	vld [tilespmem:s17+$0xFFFFFFC0];
	v23 =	vmov s5;
	v25 =	vadd.s32 v0, v22  }
0x1f7: {  	v27 =	vld [tilespmem:s17+$0x0];
	v51 =	vadd.s32 v0, v9;
	v26 =	vmov s18;
	v23 =	vand.u32 $0x7D, v23  }
0x1f8: {  	v26 =	vand.u32 $0x7E, v26;
	v29 =	vadd.s32 v0, v23  }
0x1f9: {  	[tilespmem:v18+s28+$0x0] =	vst.idx.msk $0xffff, v20;
	v30 =	vadd.s32 v0, v26;
	v19 =	vmul.f32 $8.000000000e+00, v19  }
0x1fa: {  	[tilespmem:v16+s28+$0x0] =	vst.idx.msk $0xffff, v21;
	v54 =	vmul.f32 $8.000000000e+00, v28  }
0x1fb: {  	v52 =	vmul.f32 $8.000000000e+00, v24;
	[tilespmem:v25+s28+$0x0] =	vst.idx.msk $0xffff, v19  }
0x1fc: {  	v53 =	vmul.f32 $8.000000000e+00, v27;
	v55 =	vld [tilespmem:s17+$0x50];
	[tilespmem:v51+s28+$0x0] =	vst.idx.msk $0xffff, v54  }
0x1fd: {  	v13 =	vmul.f32 $8.000000000e+00, v13;
	v8 =	vadd.s32 v3, v8;
	[tilespmem:v29+s28+$0x0] =	vst.idx.msk $0xffff, v52;
	v59 =	vld [tilespmem:s17+$0xFFFFFF90]  }
0x1fe: {  	v12 =	vmul.f32 $8.000000000e+00, v12;
	v57 =	vadd.s32 v1, v22;
	[tilespmem:v30+s28+$0x0] =	vst.idx.msk $0xffff, v53;
	v56 =	vld [tilespmem:s17+$0xFFFFFFD0]  }
0x1ff: {  	[tilespmem:v10+s28+$0x0] =	vst.idx.msk $0xffff, v13;
	v58 =	vmul.f32 $8.000000000e+00, v11;
	v28 =	vadd.s32 v1, v9;
	v19 =	vld [tilespmem:s17+$0x10]  }
0x200: {  	v61 =	vld [tilespmem:s16+$0x60];
	v60 =	vadd.s32 v1, v23;
	v14 =	vmul.f32 $8.000000000e+00, v14;
	[tilespmem:v15+s28+$0x0] =	vst.idx.msk $0xffff, v12  }
0x201: {  	v32 =	vld [tilespmem:s16+$0xFFFFFFA0];
	v62 =	vadd.s32 v1, v26;
	[tilespmem:v17+s28+$0x0] =	vst.idx.msk $0xffff, v58;
	v16 =	vmul.f32 $8.000000000e+00, v55  }
0x202: {  	[tilespmem:v8+s28+$0x0] =	vst.idx.msk $0xffff, v14;
	v29 =	vadd.s32 v2, v5;
	v30 =	vld [tilespmem:s16+$0x20];
	v11 =	vmul.f32 $8.000000000e+00, v59  }
0x203: {  	v38 =	vadd.s32 v2, v4;
	v63 =	vld [tilespmem:s16+$0xFFFFFFE0];
	v31 =	vmul.f32 $8.000000000e+00, v56;
	[tilespmem:v57+s28+$0x0] =	vst.idx.msk $0xffff, v16  }
0x204: {  	v35 =	vadd.s32 v2, v7;
	v34 =	vmul.f32 $8.000000000e+00, v19;
	v36 =	vld [tilespmem:s17+$0x60];
	[tilespmem:v28+s28+$0x0] =	vst.idx.msk $0xffff, v11  }
0x205: {  	v33 =	vadd.s32 v2, v6;
	v37 =	vmul.f32 $8.000000000e+00, v61;
	[tilespmem:v60+s28+$0x0] =	vst.idx.msk $0xffff, v31;
	v43 =	vld [tilespmem:s17+$0xFFFFFFA0]  }
0x206: {  	v40 =	vadd.s32 v2, v22;
	v14 =	vmul.f32 $8.000000000e+00, v32;
	[tilespmem:v62+s28+$0x0] =	vst.idx.msk $0xffff, v34;
	v39 =	vld [tilespmem:s17+$0xFFFFFFE0]  }
0x207: {  	v48 =	vadd.s32 v2, v9;
	[tilespmem:v29+s28+$0x0] =	vst.idx.msk $0xffff, v37;
	v42 =	vmul.f32 $8.000000000e+00, v30;
	v41 =	vld [tilespmem:s17+$0x20]  }
0x208: {  	v44 =	vadd.s32 v2, v23;
	v15 =	vmul.f32 $8.000000000e+00, v63;
	[tilespmem:v38+s28+$0x0] =	vst.idx.msk $0xffff, v14;
	v45 =	vld [tilespmem:s16+$0x70]  }
0x209: {  	v46 =	vadd.s32 v2, v26;
	v14 =	vld [tilespmem:s16+$0xFFFFFFB0];
	[tilespmem:v35+s28+$0x0] =	vst.idx.msk $0xffff, v42;
	v47 =	vmul.f32 $8.000000000e+00, v36  }
0x20a: {  	v5 =	vadd.s32 v3, v5;
	[tilespmem:v33+s28+$0x0] =	vst.idx.msk $0xffff, v15;
	v49 =	vld [tilespmem:s16+$0x30];
	v53 =	vmul.f32 $8.000000000e+00, v43  }
0x20b: {  	v4 =	vadd.s32 v3, v4;
	v21 =	vld [tilespmem:s16+$0xFFFFFFF0];
	v12 =	vmul.f32 $8.000000000e+00, v39;
	[tilespmem:v40+s28+$0x0] =	vst.idx.msk $0xffff, v47  }
0x20c: {  	v52 =	vadd.s32 v3, v7;
	v51 =	vmul.f32 $8.000000000e+00, v41;
	v10 =	vld [tilespmem:s17+$0x70];
	[tilespmem:v48+s28+$0x0] =	vst.idx.msk $0xffff, v53  }
0x20d: {  	v50 =	vadd.s32 v3, v6;
	v54 =	vmul.f32 $8.000000000e+00, v45;
	[tilespmem:v44+s28+$0x0] =	vst.idx.msk $0xffff, v12;
	v59 =	vld [tilespmem:s17+$0xFFFFFFB0]  }
0x20e: {  	v57 =	vadd.s32 v3, v22;
	v14 =	vmul.f32 $8.000000000e+00, v14;
	[tilespmem:v46+s28+$0x0] =	vst.idx.msk $0xffff, v51;
	v55 =	vld [tilespmem:s17+$0xFFFFFFF0]  }
0x20f: {  	v62 =	vadd.s32 v3, v9;
	[tilespmem:v5+s28+$0x0] =	vst.idx.msk $0xffff, v54;
	v5 =	vmul.f32 $8.000000000e+00, v49;
	v58 =	vld [tilespmem:s17+$0x30]  }
0x210: {  	v56 =	vmul.f32 $8.000000000e+00, v21;
	v60 =	vadd.s32 v3, v23;
	[tilespmem:v4+s28+$0x0] =	vst.idx.msk $0xffff, v14  }
0x211: {  	v61 =	vadd.s32 v3, v26;
	[tilespmem:v52+s28+$0x0] =	vst.idx.msk $0xffff, v5;
	v5 =	vmul.f32 $8.000000000e+00, v10  }
0x212: {  	[tilespmem:v50+s28+$0x0] =	vst.idx.msk $0xffff, v56;
	v63 =	vmul.f32 $8.000000000e+00, v59  }
0x213: {  	v4 =	vmul.f32 $8.000000000e+00, v55;
	[tilespmem:v57+s28+$0x0] =	vst.idx.msk $0xffff, v5  }
0x214: {  	v5 =	vmul.f32 $8.000000000e+00, v58;
	[tilespmem:v62+s28+$0x0] =	vst.idx.msk $0xffff, v63  }
0x215: {  	[tilespmem:v60+s28+$0x0] =	vst.idx.msk $0xffff, v4  }
0x216: {  	s10 =	simm.s32 @!p0 $0x80;
	s5 =	sadd.s32 @!p0 $0x380, s14;
	s14 =	simm.s32 @!p0 $0xC400;
	[tilespmem:v61+s28+$0x0] =	vst.idx.msk $0xffff, v5  }
0x217: {  	[tilespmem:s14], [sflag:$0x5] =	stream.indirect.gather @!p0 [hbm4b:s4+s10], $0x40, s5, s10, $0xb8;
	[tilespmem:$0x16C00] =	vst v63  }
0x218: {  	s19 =	simm.s32 $0x14A00;
	s10 =	sadd.s32 s15, s9  }
0x219: {  	[hbm4b:s10+s3] =	stream.linear.scatter [tilespmem:s19], [sflag:$0x9], $0x80, $0x38;
	[tilespmem:$0x16C00] =	vst v63  }
0x21a: {  	s14 =	simm.s32 $0x14A88;
	s15 =	sadd.s32 $0x10, s10  }
0x21b: {  	[hbm4b:s15+s3] =	stream.linear.scatter [tilespmem:s14], [sflag:$0x9], $0x80, $0x38;
	[tilespmem:$0x16C00] =	vst v63  }
0x21c: {  	s18 =	simm.s32 $0x14B98;
	s16 =	simm.s32 $0x14B10;
	s17 =	sadd.s32 $0x20, s10  }
0x21d: {  	[hbm4b:s17+s3] =	stream.linear.scatter [tilespmem:s16], [sflag:$0x9], $0x80, $0x38;
	[tilespmem:$0x16C00] =	vst v63  }
0x21e: {  	s5 =	sadd.s32 $0x70, s10;
	s19 =	sadd.s32 $0x30, s10;
	s14 =	simm.s32 $0x14C20  }
0x21f: {  	[hbm4b:s19+s3] =	stream.linear.scatter [tilespmem:s18], [sflag:$0x9], $0x80, $0x38;
	[tilespmem:$0x16C00] =	vst v63  }
0x220: {  	s15 =	sadd.s32 $0x40, s10;
	s16 =	simm.s32 $0x14CA8;
	s17 =	sadd.s32 $0x50, s10  }
0x221: {  	[hbm4b:s15+s3] =	stream.linear.scatter [tilespmem:s14], [sflag:$0x9], $0x80, $0x38;
	[tilespmem:$0x16C00] =	vst v63  }
0x222: {  	s18 =	simm.s32 $0x14D30;
	s19 =	sadd.s32 $0x60, s10;
	s14 =	simm.s32 $0x440  }
0x223: {  	[hbm4b:s17+s3] =	stream.linear.scatter [tilespmem:s16], [sflag:$0x9], $0x80, $0x38;
	[tilespmem:$0x16C00] =	vst v63  }
0x224: {  	s15 =	sadd.s32 $0x1000, s10;
	s16 =	simm.s32 $0x2200;
	s17 =	simm.s32 $0x14DB8  }
0x225: {  	[hbm4b:s19+s3] =	stream.linear.scatter [tilespmem:s18], [sflag:$0x9], $0x80, $0x38;
	[tilespmem:$0x16C00] =	vst v63  }
.LBB2_17:
0x226: {  	[hbm4b:s5+s3] =	stream.linear.scatter [tilespmem:s17], [sflag:$0x9], $0x80, $0x38;
	[tilespmem:$0x16C00] =	vst v63  }
0x227: {  	s5 =	smov.u32 s14;
	s10 =	smov.u32 s16  }
0x228: {  	s14 =	sshra.s32 s10, $0x2;
	s10 =	sadd.s32 $0x1100, s16;
	s17 =	sadd.s32 $0x14A00, s5  }
0x229: {  	[hbm4b:s15+s3] =	stream.linear.scatter [tilespmem:s17], [sflag:$0x9], $0x80, $0x38;
	[tilespmem:$0x16C00] =	vst v63  }
0x22a: {  	p0 =	sne.s32 s16, $0x7700;
	s16 =	sadd.s32 $0x14A88, s5;
	s17 =	sadd.s32 $0x10, s15  }
0x22b: {  	[hbm4b:s17+s3] =	stream.linear.scatter [tilespmem:s16], [sflag:$0x9], $0x80, $0x38;
	[tilespmem:$0x16C00] =	vst v63  }
0x22c: {  	s16 =	sadd.s32 $0x14B10, s5;
	s17 =	sadd.s32 $0x20, s15  }
0x22d: {  	[hbm4b:s17+s3] =	stream.linear.scatter [tilespmem:s16], [sflag:$0x9], $0x80, $0x38;
	[tilespmem:$0x16C00] =	vst v63  }
0x22e: {  	s16 =	sadd.s32 $0x14B98, s5;
	s17 =	sadd.s32 $0x30, s15  }
0x22f: {  	[hbm4b:s17+s3] =	stream.linear.scatter [tilespmem:s16], [sflag:$0x9], $0x80, $0x38;
	[tilespmem:$0x16C00] =	vst v63  }
0x230: {  	s16 =	sadd.s32 $0x14C20, s5;
	s17 =	sadd.s32 $0x40, s15  }
0x231: {  	[hbm4b:s17+s3] =	stream.linear.scatter [tilespmem:s16], [sflag:$0x9], $0x80, $0x38;
	[tilespmem:$0x16C00] =	vst v63  }
0x232: {  	s16 =	sadd.s32 $0x14CA8, s5;
	s17 =	sadd.s32 $0x50, s15  }
0x233: {  	[hbm4b:s17+s3] =	stream.linear.scatter [tilespmem:s16], [sflag:$0x9], $0x80, $0x38;
	[tilespmem:$0x16C00] =	vst v63  }
.Ltmp7:
0x234: {  	_ = 	snop;
	(pc) =	sbr.rel @p0 .LBB2_17-.Ltmp7, $4  }
0x235: {  	s16 =	sadd.s32 $0x14D30, s5;
	s17 =	sadd.s32 $0x60, s15  }
0x236: {  	[hbm4b:s17+s3] =	stream.linear.scatter [tilespmem:s16], [sflag:$0x9], $0x80, $0x38;
	[tilespmem:$0x16C00] =	vst v63  }
0x237: {  	s17 =	sadd.s32 $0x14DB8, s5  }
0x238: {  	s5 =	sadd.s32 $0x70, s15;
	s15 =	sadd.s32 $0x1000, s15;
	s16 =	smov.u32 s10  }
0x239: {  	[hbm4b:s5+s3] =	stream.linear.scatter [tilespmem:s17], [sflag:$0x9], $0x80, $0x38;
	[tilespmem:$0x16C00] =	vst v63  }
0x23a: {  	s18 =	sadd.s32 $0x14A00, s14  }
0x23b: {  	[hbm4b:s15+s3] =	stream.linear.scatter [tilespmem:s18], [sflag:$0x9], $0x80, $0x38;
	[tilespmem:$0x16C00] =	vst v63  }
0x23c: {  	s19 =	sadd.s32 $0x14A88, s14;
	s10 =	sadd.s32 $0x10, s15  }
0x23d: {  	[hbm4b:s10+s3] =	stream.linear.scatter [tilespmem:s19], [sflag:$0x9], $0x80, $0x38;
	[tilespmem:$0x16C00] =	vst v63  }
0x23e: {  	s16 =	sadd.s32 $0x14B10, s14;
	s17 =	sadd.s32 $0x20, s15  }
0x23f: {  	[hbm4b:s17+s3] =	stream.linear.scatter [tilespmem:s16], [sflag:$0x9], $0x80, $0x38;
	[tilespmem:$0x16C00] =	vst v63  }
0x240: {  	s18 =	sadd.s32 $0x14B98, s14;
	s19 =	sadd.s32 $0x30, s15  }
0x241: {  	[hbm4b:s19+s3] =	stream.linear.scatter [tilespmem:s18], [sflag:$0x9], $0x80, $0x38;
	[tilespmem:$0x16C00] =	vst v63  }
0x242: {  	s12 =	sadd.s32 $0x1, s12;
	s16 =	sadd.s32 $0x14C20, s14;
	s17 =	sadd.s32 $0x40, s15  }
0x243: {  	[hbm4b:s17+s3] =	stream.linear.scatter [tilespmem:s16], [sflag:$0x9], $0x80, $0x38;
	[tilespmem:$0x16C00] =	vst v63  }
0x244: {  	p0 =	sne.s32 s12, $0x32;
	s18 =	sadd.s32 $0x14CA8, s14;
	s19 =	sadd.s32 $0x50, s15  }
0x245: {  	[hbm4b:s19+s3] =	stream.linear.scatter [tilespmem:s18], [sflag:$0x9], $0x80, $0x38;
	[tilespmem:$0x16C00] =	vst v63  }
.Ltmp8:
0x246: {  	_ = 	snop;
	(pc) =	sbr.rel @p0 .LBB2_2-.Ltmp8, $4  }
0x247: {  	s16 =	sadd.s32 $0x14D30, s14;
	s17 =	sadd.s32 $0x60, s15  }
0x248: {  	[hbm4b:s17+s3] =	stream.linear.scatter [tilespmem:s16], [sflag:$0x9], $0x80, $0x38;
	[tilespmem:$0x16C00] =	vst v63  }
0x249: {  	s18 =	sadd.s32 $0x14DB8, s14;
	s19 =	sadd.s32 $0x70, s15  }
0x24a: {  	[hbm4b:s19+s3] =	stream.linear.scatter [tilespmem:s18], [sflag:$0x9], $0x80, $0x38;
	[tilespmem:$0x16C00] =	vst v63  }
0x24b: {  	_ =	swait.ge [sflag:s29], $0x2000  }
0x24c: {  	[sflag:s29] =	ssyncset.done $0x0  }
0x24d: {  	[sflag:s29] =	ssyncadd.s32 $0xFFFFE000  }
0x24e: {  	_ =	swait.ge [sflag:s30], $0x2000  }
0x24f: {  	[sflag:s30] =	ssyncset.done $0x0  }
0x250: {  	[sflag:s30] =	ssyncadd.s32 $0xFFFFE000  }
0x251: {  	_ =	swait.ge [sflag:s31], $0x2000  }
0x252: {  	[sflag:s31] =	ssyncset.done $0x0  }
0x253: {  	[sflag:s31] =	ssyncadd.s32 $0xFFFFE000  }
0x254: {  	_ =	swait.ge [sflag:s1], $0x2000  }
0x255: {  	s0 =	sadd.s32 $0x1, s0;
	s5 =	rddreg [dreg:$0x4]  }
0x256: {  	p0 =	sne.s32 s0, s5  }
.Ltmp9:
0x257: {  	_ = 	snop;
	(pc) =	sbr.rel @p0 .LBB2_1-.Ltmp9, $3  }
0x258: {  	_ =	sdelay $0x1  }
0x259: {  	[sflag:s1] =	ssyncset.done $0x0  }
0x25a: {  	[sflag:s1] =	ssyncadd.s32 $0xFFFFE000  }
0x25b: {  	_ =	sfence.sel $0x180000  }
0x25c: {  	[bflag:$0x0] =	sbarrier.arrive $0xFFFF  }
0x25d: {  	_ =	strace $0x90000047  }
0x25e: {  	s0 =	stileid.u32;
	[bflag:$0x2] =	sbarrier.arrive $0xFFFF  }
0x25f: {  	p0 =	sne.s32 s0, $0x0;
	s0 =	rddreg [dreg:$0x2]  }
0x260: {  	s0 =	sadd.s32 @!p0 $0x100000, s0  }
0x261: {  	[sflag:s0] =	ssyncadd.tile.s32 @!p0 $0x1;
	_ =	shalt  }
.Lfunc_end2:
_tile_overlayer_lowered:
.L_overlay_start_2:
0x262: {  	(tag) =	ssettag $0x2  }
0x263: {  	s0 =	rddreg [dreg:$0x0];
	s2 =	stileid.u32  }
0x264: {  	s1 =	rddreg [dreg:$0x1];
	p0 =	sne.s32 s2, $0x0  }
0x265: {  	s3 =	rddreg [dreg:$0x2];
	[bflag:$0x3] =	sbarrier.arrive $0xFFFF;
	s2 =	simm.s32 @!p0 $0x1C0A  }
0x266: {  	[timem:s3], [sflag:s2] =	dma.local @!p0 [hbm:s0], s1  }
0x267: {  	s0 =	simm.s32 @!p0 $0xA  }
0x268: {  	_ =	swait.ge @!p0 [sflag:s0], s1  }
0x269: {  	s1 =	ssub.s32 @!p0 $0x0, s1;
	[sflag:s0] =	ssyncset.done @!p0 $0x0  }
0x26a: {  	[sflag:s0] =	ssyncadd.s32 @!p0 s1  }
0x26b: {  	[bflag:$0x3] =	sbarrier.arrive $0xFFFF  }
0x26c: {  	_ =	shalt  }

</sc_bundles>
